<compile_context>
chip_gen: v7x
topology: tpu7x:2x2x1
jax: 0.10.2.dev20260603
libtpu: 0.0.44.dev20260713+nightly
codegen_flags: <defaults>
</compile_context>

<pallas_src>
import functools

import jax
import jax.numpy as jnp
from jax import lax
from jax.experimental import pallas as pl
from jax.experimental.pallas import tpu as pltpu, tpu_sc as plsc

B, L = 4096, 200
TOK_D = 64
POS_D = 64
D = TOK_D + POS_D
C = 128
NC, NS = 2, 16
NW = NC * NS
LQ, LR = L // 8, 8
NBUF = 4


def _native_tile_view(x):
    return x.T.reshape(LQ, LR, B // C, C).transpose(0, 2, 1, 3)


def _sc_embed(tok4, pos4, token_table, pos_table):
    mesh = plsc.VectorSubcoreMesh(core_axis_name="c", subcore_axis_name="s")

    scratch = (
        [pltpu.VMEM((LQ, LR, C), jnp.int32)] * 2
        + [pltpu.VMEM((C, TOK_D), jnp.float32)] * NBUF
        + [pltpu.VMEM((C, POS_D), jnp.float32)] * NBUF
        + [pltpu.SemaphoreType.DMA] * (2 * NBUF)
        + [pltpu.VMEM_SHARED((2048, POS_D), jnp.float32)]
    )

    @functools.partial(
        pl.kernel,
        mesh=mesh,
        out_type=jax.ShapeDtypeStruct((B, L, D), jnp.float32),
        compiler_params=pltpu.CompilerParams(use_tc_tiling_on_sc=False),
        scratch_types=scratch,
    )
    def k(tok_hbm, pos_hbm, ttab_hbm, ptab_hbm, out_hbm, tok_idx, pos_idx,
          *bufs):
        tok_rows = bufs[0:NBUF]
        pos_rows = bufs[NBUF:2 * NBUF]
        sem_g = bufs[2 * NBUF:3 * NBUF]
        sem_w = bufs[3 * NBUF:4 * NBUF]
        ptab_sh = bufs[4 * NBUF]

        wid = lax.axis_index("s") * NC + lax.axis_index("c")
        b0 = wid * C

        sid = lax.axis_index("s")
        pltpu.sync_copy(ptab_hbm.at[pl.ds(sid * 128, 128)], pos_rows[0])
        pltpu.sync_copy(pos_rows[0], ptab_sh.at[pl.ds(sid * 128, 128)])

        pltpu.sync_copy(tok_hbm.at[:, wid], tok_idx)
        pltpu.sync_copy(pos_hbm.at[:, wid], pos_idx)
        plsc.subcore_barrier()

        def issue_gather(j, b):
            pltpu.async_copy(ttab_hbm.at[tok_idx.at[j // LR, j % LR]],
                             tok_rows[b], sem_g[b])

        def wait_gather(b, j):
            pltpu.sync_copy(ptab_sh.at[pos_idx.at[j // LR, j % LR]],
                            pos_rows[b])
            pltpu.make_async_copy(ttab_hbm.at[tok_idx.at[0, 0]], tok_rows[b],
                                  sem_g[b]).wait()

        def issue_write(j, b):
            pltpu.async_copy(
                tok_rows[b], out_hbm.at[pl.ds(b0, C), j, pl.ds(0, TOK_D)],
                sem_w[b])
            pltpu.async_copy(
                pos_rows[b], out_hbm.at[pl.ds(b0, C), j, pl.ds(TOK_D, POS_D)],
                sem_w[b])

        def wait_write(j, b):
            pltpu.make_async_copy(
                tok_rows[b], out_hbm.at[pl.ds(b0, C), j, pl.ds(0, TOK_D)],
                sem_w[b]).wait()
            pltpu.make_async_copy(
                pos_rows[b], out_hbm.at[pl.ds(b0, C), j, pl.ds(TOK_D, POS_D)],
                sem_w[b]).wait()

        DL = NBUF // 2

        def substep(j, phase, do_wait_w, do_prefetch):
            bp = (phase + DL) % NBUF
            if do_wait_w:
                wait_write(j + DL - NBUF, bp)
            if do_prefetch:
                issue_gather(j + DL, bp)
            wait_gather(phase, j)
            issue_write(j, phase)

        for j in range(DL):
            issue_gather(j, j % NBUF)

        for j in range(NBUF):
            substep(j, j, do_wait_w=(j + DL - NBUF >= 0), do_prefetch=True)

        @pl.loop(NBUF, L - NBUF, step=NBUF)
        def _(j0):
            for b in range(NBUF):
                substep(j0 + b, b, do_wait_w=True, do_prefetch=True)

        for b in range(NBUF):
            j = L - NBUF + b
            substep(j, b, do_wait_w=(j + DL < L), do_prefetch=(j + DL < L))

        for b in range(NBUF):
            wait_write(L - NBUF + b, (L - NBUF + b) % NBUF)

    return k(tok4, pos4, token_table, pos_table)


def kernel(tokens, pos, token_table, pos_table):
    tok4 = _native_tile_view(tokens)
    pos4 = _native_tile_view(pos)
    return _sc_embed(tok4, pos4, token_table, pos_table)

# --- scband reference (transcript-rebuilt; emitter-appended) ---
"""Pipeline reference for scband-embedding-layer-9302899163791 (READ-ONLY COPY).

The authoritative reference and input builder live on the scoring server;
editing this copy changes nothing except your own understanding.
"""

import jax, jax.numpy as jnp
import numpy as np

TOKEN_VOCAB = 1000000
POS_VOCAB = 2048
TOKEN_EMB = 64
POS_EMB = 64
B, L = 4096, 200


def setup_inputs(seed: int = 0) -> dict:
    key = jax.random.key(seed)
    k1, k2, k3, k4 = jax.random.split(key, 4)
    tokens = jax.random.randint(k1, (B, L), 0, TOKEN_VOCAB, dtype=jnp.int64 if jax.config.jax_enable_x64 else jnp.int32).astype(jnp.int32)
    pos = jax.random.randint(k2, (B, L), 0, POS_VOCAB, dtype=jnp.int32)
    token_table = jax.random.normal(k3, (TOKEN_VOCAB, TOKEN_EMB), dtype=jnp.float32) * 0.02
    pos_table = jax.random.normal(k4, (POS_VOCAB, POS_EMB), dtype=jnp.float32) * 0.02
    # padding_idx rows are zero-initialized in torch nn.Embedding
    token_table = token_table.at[0].set(0.0)
    pos_table = pos_table.at[0].set(0.0)
    return {"tokens": tokens, "pos": pos, "token_table": token_table, "pos_table": pos_table}


def reference(tokens, pos, token_table, pos_table):
    # token embedding lookup (gather)
    tok_emb = jnp.take(token_table, tokens, axis=0)  # [B, L, TOKEN_EMB]
    pos_emb = jnp.take(pos_table, pos, axis=0)       # [B, L, POS_EMB]
    out = jnp.concatenate((tok_emb, pos_emb), axis=-1)  # [B, L, TOKEN_EMB+POS_EMB]
    # dropout is identity in eval mode
    return out

if __name__ == "__main__":
    import jax
    _d = setup_inputs()
    print(jax.jit(kernel)(*tuple(_d.values())))

</pallas_src>

<mosaic_0001>
#map = affine_map<(d0, d1) -> (0, 0, 0, 0)>
#map1 = affine_map<(d0, d1) -> (0, 0)>
#map2 = affine_map<(d0, d1) -> (0, 0, 0)>
module attributes {stable_mosaic.version = 14 : i64} {
  func.func @k(%arg0: i32, %arg1: i32, %arg2: memref<25x32x8x128xi32, #tpu.memory_space<hbm>>, %arg3: memref<25x32x8x128xi32, #tpu.memory_space<hbm>>, %arg4: memref<1000000x64xf32, #tpu.memory_space<hbm>>, %arg5: memref<2048x64xf32, #tpu.memory_space<hbm>>, %arg6: memref<4096x200x128xf32, #tpu.memory_space<hbm>>, %arg7: memref<25x8x128xi32, #tpu.memory_space<vmem>>, %arg8: memref<25x8x128xi32, #tpu.memory_space<vmem>>, %arg9: memref<128x64xf32, #tpu.memory_space<vmem>>, %arg10: memref<128x64xf32, #tpu.memory_space<vmem>>, %arg11: memref<128x64xf32, #tpu.memory_space<vmem>>, %arg12: memref<128x64xf32, #tpu.memory_space<vmem>>, %arg13: memref<128x64xf32, #tpu.memory_space<vmem>>, %arg14: memref<128x64xf32, #tpu.memory_space<vmem>>, %arg15: memref<128x64xf32, #tpu.memory_space<vmem>>, %arg16: memref<128x64xf32, #tpu.memory_space<vmem>>, %arg17: memref<!tpu.dma_semaphore, #tpu.memory_space<semaphore_mem>>, %arg18: memref<!tpu.dma_semaphore, #tpu.memory_space<semaphore_mem>>, %arg19: memref<!tpu.dma_semaphore, #tpu.memory_space<semaphore_mem>>, %arg20: memref<!tpu.dma_semaphore, #tpu.memory_space<semaphore_mem>>, %arg21: memref<!tpu.dma_semaphore, #tpu.memory_space<semaphore_mem>>, %arg22: memref<!tpu.dma_semaphore, #tpu.memory_space<semaphore_mem>>, %arg23: memref<!tpu.dma_semaphore, #tpu.memory_space<semaphore_mem>>, %arg24: memref<!tpu.dma_semaphore, #tpu.memory_space<semaphore_mem>>, %arg25: memref<2048x64xf32, #tpu.memory_space<vmem_shared>>) attributes {dimension_semantics = [#tpu.dimension_semantics<core_parallel>, #tpu.dimension_semantics<subcore_parallel>], iteration_bounds = array<i64: 2, 16>, scalar_prefetch = 0 : i64, scratch_operands = 19 : i64, tpu.core_type = #tpu.core_type<sc_vector_subcore>, window_params = [{transform_indices = #map}, {transform_indices = #map}, {transform_indices = #map1}, {transform_indices = #map1}, {transform_indices = #map2}]} {
    %mul3A = arith.constant 2 : i32
    %mul3A_0 = arith.muli %arg1, %mul3A : i32
    %add3A = arith.addi %mul3A_0, %arg0 : i32
    %mul3A_1 = arith.constant 128 : i32
    %mul3A_2 = arith.muli %add3A, %mul3A_1 : i32
    %mul3A_3 = arith.constant 128 : i32
    %mul3A_4 = arith.muli %arg1, %mul3A_3 : i32
    "tpu.region"() ({
      %run_scoped3A_376 = tpu.sem_alloc : memref<!tpu.dma_semaphore, #tpu.memory_space<semaphore_mem>>
      %dma_start3A_377 = arith.constant 0 : i32
      %dma_start3A_378 = tpu.memref_slice %arg5[%mul3A_4, %dma_start3A_377] : memref<2048x64xf32, #tpu.memory_space<hbm>> -> memref<128x64xf32, #tpu.memory_space<hbm>>
      %dma_start3A_379 = arith.constant 0 : i32
      %dma_start3A_380 = tpu.memref_slice %arg5[%mul3A_4, %dma_start3A_379] : memref<2048x64xf32, #tpu.memory_space<hbm>> -> memref<128x64xf32, #tpu.memory_space<hbm>>
      tpu.enqueue_dma source(%dma_start3A_380 : memref<128x64xf32, #tpu.memory_space<hbm>>) target(%arg13 : memref<128x64xf32, #tpu.memory_space<vmem>>) target_semaphore(%run_scoped3A_376 : memref<!tpu.dma_semaphore, #tpu.memory_space<semaphore_mem>>)
      %dma_wait3A_381 = arith.constant 0 : i32
      %dma_wait3A_382 = tpu.memref_slice %arg5[%mul3A_4, %dma_wait3A_381] : memref<2048x64xf32, #tpu.memory_space<hbm>> -> memref<128x64xf32, #tpu.memory_space<hbm>>
      %dma_wait3A_383 = arith.constant 0 : i32
      %dma_wait3A_384 = tpu.memref_slice %arg5[%mul3A_4, %dma_wait3A_383] : memref<2048x64xf32, #tpu.memory_space<hbm>> -> memref<128x64xf32, #tpu.memory_space<hbm>>
      tpu.wait_dma2 semaphore(%run_scoped3A_376 : memref<!tpu.dma_semaphore, #tpu.memory_space<semaphore_mem>>) src(%dma_wait3A_384 : memref<128x64xf32, #tpu.memory_space<hbm>>) dst(%arg13 : memref<128x64xf32, #tpu.memory_space<vmem>>)
      tpu.yield
    }) : () -> ()
    %mul3A_5 = arith.constant 128 : i32
    %mul3A_6 = arith.muli %arg1, %mul3A_5 : i32
    "tpu.region"() ({
      %run_scoped3A_376 = tpu.sem_alloc : memref<!tpu.dma_semaphore, #tpu.memory_space<semaphore_mem>>
      %dma_start3A_377 = arith.constant 0 : i32
      %dma_start3A_378 = tpu.memref_slice %arg25[%mul3A_6, %dma_start3A_377] : memref<2048x64xf32, #tpu.memory_space<vmem_shared>> -> memref<128x64xf32, #tpu.memory_space<vmem_shared>>
      %dma_start3A_379 = arith.constant 0 : i32
      %dma_start3A_380 = tpu.memref_slice %arg25[%mul3A_6, %dma_start3A_379] : memref<2048x64xf32, #tpu.memory_space<vmem_shared>> -> memref<128x64xf32, #tpu.memory_space<vmem_shared>>
      tpu.enqueue_dma source(%arg13 : memref<128x64xf32, #tpu.memory_space<vmem>>) target(%dma_start3A_380 : memref<128x64xf32, #tpu.memory_space<vmem_shared>>) target_semaphore(%run_scoped3A_376 : memref<!tpu.dma_semaphore, #tpu.memory_space<semaphore_mem>>)
      %dma_wait3A_381 = arith.constant 0 : i32
      %dma_wait3A_382 = tpu.memref_slice %arg25[%mul3A_6, %dma_wait3A_381] : memref<2048x64xf32, #tpu.memory_space<vmem_shared>> -> memref<128x64xf32, #tpu.memory_space<vmem_shared>>
      %dma_wait3A_383 = arith.constant 0 : i32
      %dma_wait3A_384 = tpu.memref_slice %arg25[%mul3A_6, %dma_wait3A_383] : memref<2048x64xf32, #tpu.memory_space<vmem_shared>> -> memref<128x64xf32, #tpu.memory_space<vmem_shared>>
      tpu.wait_dma2 semaphore(%run_scoped3A_376 : memref<!tpu.dma_semaphore, #tpu.memory_space<semaphore_mem>>) src(%arg13 : memref<128x64xf32, #tpu.memory_space<vmem>>) dst(%dma_wait3A_384 : memref<128x64xf32, #tpu.memory_space<vmem_shared>>)
      tpu.yield
    }) : () -> ()
    "tpu.region"() ({
      %run_scoped3A_376 = tpu.sem_alloc : memref<!tpu.dma_semaphore, #tpu.memory_space<semaphore_mem>>
      %dma_start3A_377 = arith.constant 0 : i32
      %dma_start3A_378 = arith.constant 0 : i32
      %dma_start3A_379 = arith.constant 0 : i32
      %dma_start3A_380 = tpu.memref_slice %arg2[%dma_start3A_377, %add3A, %dma_start3A_378, %dma_start3A_379] : memref<25x32x8x128xi32, #tpu.memory_space<hbm>> -> memref<25x1x8x128xi32, #tpu.memory_space<hbm>>
      %dma_start3A_381 = tpu.memref_squeeze %dma_start3A_380 : memref<25x1x8x128xi32, #tpu.memory_space<hbm>> -> memref<25x8x128xi32, #tpu.memory_space<hbm>>
      %dma_start3A_382 = arith.constant 0 : i32
      %dma_start3A_383 = arith.constant 0 : i32
      %dma_start3A_384 = arith.constant 0 : i32
      %dma_start3A_385 = tpu.memref_slice %arg2[%dma_start3A_382, %add3A, %dma_start3A_383, %dma_start3A_384] : memref<25x32x8x128xi32, #tpu.memory_space<hbm>> -> memref<25x1x8x128xi32, #tpu.memory_space<hbm>>
      %dma_start3A_386 = tpu.memref_squeeze %dma_start3A_385 : memref<25x1x8x128xi32, #tpu.memory_space<hbm>> -> memref<25x8x128xi32, #tpu.memory_space<hbm>>
      tpu.enqueue_dma source(%dma_start3A_386 : memref<25x8x128xi32, #tpu.memory_space<hbm>>) target(%arg7 : memref<25x8x128xi32, #tpu.memory_space<vmem>>) target_semaphore(%run_scoped3A_376 : memref<!tpu.dma_semaphore, #tpu.memory_space<semaphore_mem>>)
      %dma_wait3A_387 = arith.constant 0 : i32
      %dma_wait3A_388 = arith.constant 0 : i32
      %dma_wait3A_389 = arith.constant 0 : i32
      %dma_wait3A_390 = tpu.memref_slice %arg2[%dma_wait3A_387, %add3A, %dma_wait3A_388, %dma_wait3A_389] : memref<25x32x8x128xi32, #tpu.memory_space<hbm>> -> memref<25x1x8x128xi32, #tpu.memory_space<hbm>>
      %dma_wait3A_391 = tpu.memref_squeeze %dma_wait3A_390 : memref<25x1x8x128xi32, #tpu.memory_space<hbm>> -> memref<25x8x128xi32, #tpu.memory_space<hbm>>
      %dma_wait3A_392 = arith.constant 0 : i32
      %dma_wait3A_393 = arith.constant 0 : i32
      %dma_wait3A_394 = arith.constant 0 : i32
      %dma_wait3A_395 = tpu.memref_slice %arg2[%dma_wait3A_392, %add3A, %dma_wait3A_393, %dma_wait3A_394] : memref<25x32x8x128xi32, #tpu.memory_space<hbm>> -> memref<25x1x8x128xi32, #tpu.memory_space<hbm>>
      %dma_wait3A_396 = tpu.memref_squeeze %dma_wait3A_395 : memref<25x1x8x128xi32, #tpu.memory_space<hbm>> -> memref<25x8x128xi32, #tpu.memory_space<hbm>>
      tpu.wait_dma2 semaphore(%run_scoped3A_376 : memref<!tpu.dma_semaphore, #tpu.memory_space<semaphore_mem>>) src(%dma_wait3A_396 : memref<25x8x128xi32, #tpu.memory_space<hbm>>) dst(%arg7 : memref<25x8x128xi32, #tpu.memory_space<vmem>>)
      tpu.yield
    }) : () -> ()
    "tpu.region"() ({
      %run_scoped3A_376 = tpu.sem_alloc : memref<!tpu.dma_semaphore, #tpu.memory_space<semaphore_mem>>
      %dma_start3A_377 = arith.constant 0 : i32
      %dma_start3A_378 = arith.constant 0 : i32
      %dma_start3A_379 = arith.constant 0 : i32
      %dma_start3A_380 = tpu.memref_slice %arg3[%dma_start3A_377, %add3A, %dma_start3A_378, %dma_start3A_379] : memref<25x32x8x128xi32, #tpu.memory_space<hbm>> -> memref<25x1x8x128xi32, #tpu.memory_space<hbm>>
      %dma_start3A_381 = tpu.memref_squeeze %dma_start3A_380 : memref<25x1x8x128xi32, #tpu.memory_space<hbm>> -> memref<25x8x128xi32, #tpu.memory_space<hbm>>
      %dma_start3A_382 = arith.constant 0 : i32
      %dma_start3A_383 = arith.constant 0 : i32
      %dma_start3A_384 = arith.constant 0 : i32
      %dma_start3A_385 = tpu.memref_slice %arg3[%dma_start3A_382, %add3A, %dma_start3A_383, %dma_start3A_384] : memref<25x32x8x128xi32, #tpu.memory_space<hbm>> -> memref<25x1x8x128xi32, #tpu.memory_space<hbm>>
      %dma_start3A_386 = tpu.memref_squeeze %dma_start3A_385 : memref<25x1x8x128xi32, #tpu.memory_space<hbm>> -> memref<25x8x128xi32, #tpu.memory_space<hbm>>
      tpu.enqueue_dma source(%dma_start3A_386 : memref<25x8x128xi32, #tpu.memory_space<hbm>>) target(%arg8 : memref<25x8x128xi32, #tpu.memory_space<vmem>>) target_semaphore(%run_scoped3A_376 : memref<!tpu.dma_semaphore, #tpu.memory_space<semaphore_mem>>)
      %dma_wait3A_387 = arith.constant 0 : i32
      %dma_wait3A_388 = arith.constant 0 : i32
      %dma_wait3A_389 = arith.constant 0 : i32
      %dma_wait3A_390 = tpu.memref_slice %arg3[%dma_wait3A_387, %add3A, %dma_wait3A_388, %dma_wait3A_389] : memref<25x32x8x128xi32, #tpu.memory_space<hbm>> -> memref<25x1x8x128xi32, #tpu.memory_space<hbm>>
      %dma_wait3A_391 = tpu.memref_squeeze %dma_wait3A_390 : memref<25x1x8x128xi32, #tpu.memory_space<hbm>> -> memref<25x8x128xi32, #tpu.memory_space<hbm>>
      %dma_wait3A_392 = arith.constant 0 : i32
      %dma_wait3A_393 = arith.constant 0 : i32
      %dma_wait3A_394 = arith.constant 0 : i32
      %dma_wait3A_395 = tpu.memref_slice %arg3[%dma_wait3A_392, %add3A, %dma_wait3A_393, %dma_wait3A_394] : memref<25x32x8x128xi32, #tpu.memory_space<hbm>> -> memref<25x1x8x128xi32, #tpu.memory_space<hbm>>
      %dma_wait3A_396 = tpu.memref_squeeze %dma_wait3A_395 : memref<25x1x8x128xi32, #tpu.memory_space<hbm>> -> memref<25x8x128xi32, #tpu.memory_space<hbm>>
      tpu.wait_dma2 semaphore(%run_scoped3A_376 : memref<!tpu.dma_semaphore, #tpu.memory_space<semaphore_mem>>) src(%dma_wait3A_396 : memref<25x8x128xi32, #tpu.memory_space<hbm>>) dst(%arg8 : memref<25x8x128xi32, #tpu.memory_space<vmem>>)
      tpu.yield
    }) : () -> ()
    %barrier3A = arith.constant 0 : index
    tpu.barrier barrier_id(%barrier3A)
    %dma_start3A = arith.constant 0 : i32
    %dma_start3A_7 = arith.constant 0 : i32
    %dma_start3A_8 = arith.constant 0 : i32
    %dma_start3A_9 = tpu.memref_slice %arg7[%dma_start3A, %dma_start3A_7, %dma_start3A_8] : memref<25x8x128xi32, #tpu.memory_space<vmem>> -> memref<1x1x128xi32, #tpu.memory_space<vmem>>
    %dma_start3A_10 = tpu.memref_squeeze %dma_start3A_9 : memref<1x1x128xi32, #tpu.memory_space<vmem>> -> memref<128xi32, #tpu.memory_space<vmem>>
    %dma_start3A_11 = arith.constant 0 : i32
    %dma_start3A_12 = arith.constant 0 : i32
    %dma_start3A_13 = tpu.memref_slice %arg4[%dma_start3A_11, %dma_start3A_12] : memref<1000000x64xf32, #tpu.memory_space<hbm>> -> memref<1000000x64xf32, #tpu.memory_space<hbm>>
    tpu.enqueue_indirect_dma source(%dma_start3A_13 : memref<1000000x64xf32, #tpu.memory_space<hbm>>) target(%arg9 : memref<128x64xf32, #tpu.memory_space<vmem>>) offsets(%dma_start3A_10 : memref<128xi32, #tpu.memory_space<vmem>>) semaphore(%arg17 : memref<!tpu.dma_semaphore, #tpu.memory_space<semaphore_mem>>)
    %dma_start3A_14 = arith.constant 0 : i32
    %dma_start3A_15 = arith.constant 1 : i32
    %dma_start3A_16 = arith.constant 0 : i32
    %dma_start3A_17 = tpu.memref_slice %arg7[%dma_start3A_14, %dma_start3A_15, %dma_start3A_16] : memref<25x8x128xi32, #tpu.memory_space<vmem>> -> memref<1x1x128xi32, #tpu.memory_space<vmem>>
    %dma_start3A_18 = tpu.memref_squeeze %dma_start3A_17 : memref<1x1x128xi32, #tpu.memory_space<vmem>> -> memref<128xi32, #tpu.memory_space<vmem>>
    %dma_start3A_19 = arith.constant 0 : i32
    %dma_start3A_20 = arith.constant 0 : i32
    %dma_start3A_21 = tpu.memref_slice %arg4[%dma_start3A_19, %dma_start3A_20] : memref<1000000x64xf32, #tpu.memory_space<hbm>> -> memref<1000000x64xf32, #tpu.memory_space<hbm>>
    tpu.enqueue_indirect_dma source(%dma_start3A_21 : memref<1000000x64xf32, #tpu.memory_space<hbm>>) target(%arg10 : memref<128x64xf32, #tpu.memory_space<vmem>>) offsets(%dma_start3A_18 : memref<128xi32, #tpu.memory_space<vmem>>) semaphore(%arg18 : memref<!tpu.dma_semaphore, #tpu.memory_space<semaphore_mem>>)
    %dma_start3A_22 = arith.constant 0 : i32
    %dma_start3A_23 = arith.constant 2 : i32
    %dma_start3A_24 = arith.constant 0 : i32
    %dma_start3A_25 = tpu.memref_slice %arg7[%dma_start3A_22, %dma_start3A_23, %dma_start3A_24] : memref<25x8x128xi32, #tpu.memory_space<vmem>> -> memref<1x1x128xi32, #tpu.memory_space<vmem>>
    %dma_start3A_26 = tpu.memref_squeeze %dma_start3A_25 : memref<1x1x128xi32, #tpu.memory_space<vmem>> -> memref<128xi32, #tpu.memory_space<vmem>>
    %dma_start3A_27 = arith.constant 0 : i32
    %dma_start3A_28 = arith.constant 0 : i32
    %dma_start3A_29 = tpu.memref_slice %arg4[%dma_start3A_27, %dma_start3A_28] : memref<1000000x64xf32, #tpu.memory_space<hbm>> -> memref<1000000x64xf32, #tpu.memory_space<hbm>>
    tpu.enqueue_indirect_dma source(%dma_start3A_29 : memref<1000000x64xf32, #tpu.memory_space<hbm>>) target(%arg11 : memref<128x64xf32, #tpu.memory_space<vmem>>) offsets(%dma_start3A_26 : memref<128xi32, #tpu.memory_space<vmem>>) semaphore(%arg19 : memref<!tpu.dma_semaphore, #tpu.memory_space<semaphore_mem>>)
    %run_scoped3A = arith.constant 0 : i32
    %run_scoped3A_30 = arith.constant 0 : i32
    "tpu.region"() ({
      %run_scoped3A_376 = tpu.sem_alloc : memref<!tpu.dma_semaphore, #tpu.memory_space<semaphore_mem>>
      %dma_start3A_377 = arith.constant 0 : i32
      %dma_start3A_378 = tpu.memref_slice %arg8[%run_scoped3A, %run_scoped3A_30, %dma_start3A_377] : memref<25x8x128xi32, #tpu.memory_space<vmem>> -> memref<1x1x128xi32, #tpu.memory_space<vmem>>
      %dma_start3A_379 = tpu.memref_squeeze %dma_start3A_378 : memref<1x1x128xi32, #tpu.memory_space<vmem>> -> memref<128xi32, #tpu.memory_space<vmem>>
      %dma_start3A_380 = arith.constant 0 : i32
      %dma_start3A_381 = arith.constant 0 : i32
      %dma_start3A_382 = tpu.memref_slice %arg25[%dma_start3A_380, %dma_start3A_381] : memref<2048x64xf32, #tpu.memory_space<vmem_shared>> -> memref<2048x64xf32, #tpu.memory_space<vmem_shared>>
      tpu.enqueue_indirect_dma source(%dma_start3A_382 : memref<2048x64xf32, #tpu.memory_space<vmem_shared>>) target(%arg13 : memref<128x64xf32, #tpu.memory_space<vmem>>) offsets(%dma_start3A_379 : memref<128xi32, #tpu.memory_space<vmem>>) semaphore(%run_scoped3A_376 : memref<!tpu.dma_semaphore, #tpu.memory_space<semaphore_mem>>)
      %dma_wait3A_383 = arith.constant 0 : i32
      %dma_wait3A_384 = tpu.memref_slice %arg8[%run_scoped3A, %run_scoped3A_30, %dma_wait3A_383] : memref<25x8x128xi32, #tpu.memory_space<vmem>> -> memref<1x1x128xi32, #tpu.memory_space<vmem>>
      %dma_wait3A_385 = tpu.memref_squeeze %dma_wait3A_384 : memref<1x1x128xi32, #tpu.memory_space<vmem>> -> memref<128xi32, #tpu.memory_space<vmem>>
      %dma_wait3A_386 = arith.constant 0 : i32
      %dma_wait3A_387 = arith.constant 0 : i32
      %dma_wait3A_388 = tpu.memref_slice %arg25[%dma_wait3A_386, %dma_wait3A_387] : memref<2048x64xf32, #tpu.memory_space<vmem_shared>> -> memref<2048x64xf32, #tpu.memory_space<vmem_shared>>
      tpu.wait_indirect_dma semaphore(%run_scoped3A_376 : memref<!tpu.dma_semaphore, #tpu.memory_space<semaphore_mem>>) src(%dma_wait3A_388 : memref<2048x64xf32, #tpu.memory_space<vmem_shared>>) dst(%arg13 : memref<128x64xf32, #tpu.memory_space<vmem>>)
      tpu.yield
    }) : () -> ()
    %dma_wait3A = arith.constant 0 : i32
    %dma_wait3A_31 = arith.constant 0 : i32
    %dma_wait3A_32 = arith.constant 0 : i32
    %dma_wait3A_33 = tpu.memref_slice %arg7[%dma_wait3A, %dma_wait3A_31, %dma_wait3A_32] : memref<25x8x128xi32, #tpu.memory_space<vmem>> -> memref<1x1x128xi32, #tpu.memory_space<vmem>>
    %dma_wait3A_34 = tpu.memref_squeeze %dma_wait3A_33 : memref<1x1x128xi32, #tpu.memory_space<vmem>> -> memref<128xi32, #tpu.memory_space<vmem>>
    %dma_wait3A_35 = arith.constant 0 : i32
    %dma_wait3A_36 = arith.constant 0 : i32
    %dma_wait3A_37 = tpu.memref_slice %arg4[%dma_wait3A_35, %dma_wait3A_36] : memref<1000000x64xf32, #tpu.memory_space<hbm>> -> memref<1000000x64xf32, #tpu.memory_space<hbm>>
    tpu.wait_indirect_dma semaphore(%arg17 : memref<!tpu.dma_semaphore, #tpu.memory_space<semaphore_mem>>) src(%dma_wait3A_37 : memref<1000000x64xf32, #tpu.memory_space<hbm>>) dst(%arg9 : memref<128x64xf32, #tpu.memory_space<vmem>>)
    %dma_start3A_38 = arith.constant 0 : i32
    %dma_start3A_39 = arith.constant 0 : i32
    %dma_start3A_40 = tpu.memref_slice %arg6[%mul3A_2, %dma_start3A_38, %dma_start3A_39] : memref<4096x200x128xf32, #tpu.memory_space<hbm>> -> memref<128x1x64xf32, #tpu.memory_space<hbm>>
    %dma_start3A_41 = tpu.memref_squeeze %dma_start3A_40 : memref<128x1x64xf32, #tpu.memory_space<hbm>> -> memref<128x64xf32, #tpu.memory_space<hbm>>
    %dma_start3A_42 = arith.constant 0 : i32
    %dma_start3A_43 = tpu.memref_slice %arg6[%mul3A_2, %dma_start3A_38, %dma_start3A_42] : memref<4096x200x128xf32, #tpu.memory_space<hbm>> -> memref<128x1x64xf32, #tpu.memory_space<hbm>>
    %dma_start3A_44 = tpu.memref_squeeze %dma_start3A_43 : memref<128x1x64xf32, #tpu.memory_space<hbm>> -> memref<128x64xf32, #tpu.memory_space<hbm>>
    tpu.enqueue_dma source(%arg9 : memref<128x64xf32, #tpu.memory_space<vmem>>) target(%dma_start3A_44 : memref<128x64xf32, #tpu.memory_space<hbm>>) target_semaphore(%arg21 : memref<!tpu.dma_semaphore, #tpu.memory_space<semaphore_mem>>)
    %dma_start3A_45 = arith.constant 0 : i32
    %dma_start3A_46 = arith.constant 64 : i32
    %dma_start3A_47 = tpu.memref_slice %arg6[%mul3A_2, %dma_start3A_45, %dma_start3A_46] : memref<4096x200x128xf32, #tpu.memory_space<hbm>> -> memref<128x1x64xf32, #tpu.memory_space<hbm>>
    %dma_start3A_48 = tpu.memref_squeeze %dma_start3A_47 : memref<128x1x64xf32, #tpu.memory_space<hbm>> -> memref<128x64xf32, #tpu.memory_space<hbm>>
    %dma_start3A_49 = arith.constant 64 : i32
    %dma_start3A_50 = tpu.memref_slice %arg6[%mul3A_2, %dma_start3A_45, %dma_start3A_49] : memref<4096x200x128xf32, #tpu.memory_space<hbm>> -> memref<128x1x64xf32, #tpu.memory_space<hbm>>
    %dma_start3A_51 = tpu.memref_squeeze %dma_start3A_50 : memref<128x1x64xf32, #tpu.memory_space<hbm>> -> memref<128x64xf32, #tpu.memory_space<hbm>>
    tpu.enqueue_dma source(%arg13 : memref<128x64xf32, #tpu.memory_space<vmem>>) target(%dma_start3A_51 : memref<128x64xf32, #tpu.memory_space<hbm>>) target_semaphore(%arg21 : memref<!tpu.dma_semaphore, #tpu.memory_space<semaphore_mem>>)
    %dma_start3A_52 = arith.constant 0 : i32
    %dma_start3A_53 = arith.constant 3 : i32
    %dma_start3A_54 = arith.constant 0 : i32
    %dma_start3A_55 = tpu.memref_slice %arg7[%dma_start3A_52, %dma_start3A_53, %dma_start3A_54] : memref<25x8x128xi32, #tpu.memory_space<vmem>> -> memref<1x1x128xi32, #tpu.memory_space<vmem>>
    %dma_start3A_56 = tpu.memref_squeeze %dma_start3A_55 : memref<1x1x128xi32, #tpu.memory_space<vmem>> -> memref<128xi32, #tpu.memory_space<vmem>>
    %dma_start3A_57 = arith.constant 0 : i32
    %dma_start3A_58 = arith.constant 0 : i32
    %dma_start3A_59 = tpu.memref_slice %arg4[%dma_start3A_57, %dma_start3A_58] : memref<1000000x64xf32, #tpu.memory_space<hbm>> -> memref<1000000x64xf32, #tpu.memory_space<hbm>>
    tpu.enqueue_indirect_dma source(%dma_start3A_59 : memref<1000000x64xf32, #tpu.memory_space<hbm>>) target(%arg12 : memref<128x64xf32, #tpu.memory_space<vmem>>) offsets(%dma_start3A_56 : memref<128xi32, #tpu.memory_space<vmem>>) semaphore(%arg20 : memref<!tpu.dma_semaphore, #tpu.memory_space<semaphore_mem>>)
    %run_scoped3A_60 = arith.constant 0 : i32
    %run_scoped3A_61 = arith.constant 1 : i32
    "tpu.region"() ({
      %run_scoped3A_376 = tpu.sem_alloc : memref<!tpu.dma_semaphore, #tpu.memory_space<semaphore_mem>>
      %dma_start3A_377 = arith.constant 0 : i32
      %dma_start3A_378 = tpu.memref_slice %arg8[%run_scoped3A_60, %run_scoped3A_61, %dma_start3A_377] : memref<25x8x128xi32, #tpu.memory_space<vmem>> -> memref<1x1x128xi32, #tpu.memory_space<vmem>>
      %dma_start3A_379 = tpu.memref_squeeze %dma_start3A_378 : memref<1x1x128xi32, #tpu.memory_space<vmem>> -> memref<128xi32, #tpu.memory_space<vmem>>
      %dma_start3A_380 = arith.constant 0 : i32
      %dma_start3A_381 = arith.constant 0 : i32
      %dma_start3A_382 = tpu.memref_slice %arg25[%dma_start3A_380, %dma_start3A_381] : memref<2048x64xf32, #tpu.memory_space<vmem_shared>> -> memref<2048x64xf32, #tpu.memory_space<vmem_shared>>
      tpu.enqueue_indirect_dma source(%dma_start3A_382 : memref<2048x64xf32, #tpu.memory_space<vmem_shared>>) target(%arg14 : memref<128x64xf32, #tpu.memory_space<vmem>>) offsets(%dma_start3A_379 : memref<128xi32, #tpu.memory_space<vmem>>) semaphore(%run_scoped3A_376 : memref<!tpu.dma_semaphore, #tpu.memory_space<semaphore_mem>>)
      %dma_wait3A_383 = arith.constant 0 : i32
      %dma_wait3A_384 = tpu.memref_slice %arg8[%run_scoped3A_60, %run_scoped3A_61, %dma_wait3A_383] : memref<25x8x128xi32, #tpu.memory_space<vmem>> -> memref<1x1x128xi32, #tpu.memory_space<vmem>>
      %dma_wait3A_385 = tpu.memref_squeeze %dma_wait3A_384 : memref<1x1x128xi32, #tpu.memory_space<vmem>> -> memref<128xi32, #tpu.memory_space<vmem>>
      %dma_wait3A_386 = arith.constant 0 : i32
      %dma_wait3A_387 = arith.constant 0 : i32
      %dma_wait3A_388 = tpu.memref_slice %arg25[%dma_wait3A_386, %dma_wait3A_387] : memref<2048x64xf32, #tpu.memory_space<vmem_shared>> -> memref<2048x64xf32, #tpu.memory_space<vmem_shared>>
      tpu.wait_indirect_dma semaphore(%run_scoped3A_376 : memref<!tpu.dma_semaphore, #tpu.memory_space<semaphore_mem>>) src(%dma_wait3A_388 : memref<2048x64xf32, #tpu.memory_space<vmem_shared>>) dst(%arg14 : memref<128x64xf32, #tpu.memory_space<vmem>>)
      tpu.yield
    }) : () -> ()
    %dma_wait3A_62 = arith.constant 0 : i32
    %dma_wait3A_63 = arith.constant 0 : i32
    %dma_wait3A_64 = arith.constant 0 : i32
    %dma_wait3A_65 = tpu.memref_slice %arg7[%dma_wait3A_62, %dma_wait3A_63, %dma_wait3A_64] : memref<25x8x128xi32, #tpu.memory_space<vmem>> -> memref<1x1x128xi32, #tpu.memory_space<vmem>>
    %dma_wait3A_66 = tpu.memref_squeeze %dma_wait3A_65 : memref<1x1x128xi32, #tpu.memory_space<vmem>> -> memref<128xi32, #tpu.memory_space<vmem>>
    %dma_wait3A_67 = arith.constant 0 : i32
    %dma_wait3A_68 = arith.constant 0 : i32
    %dma_wait3A_69 = tpu.memref_slice %arg4[%dma_wait3A_67, %dma_wait3A_68] : memref<1000000x64xf32, #tpu.memory_space<hbm>> -> memref<1000000x64xf32, #tpu.memory_space<hbm>>
    tpu.wait_indirect_dma semaphore(%arg18 : memref<!tpu.dma_semaphore, #tpu.memory_space<semaphore_mem>>) src(%dma_wait3A_69 : memref<1000000x64xf32, #tpu.memory_space<hbm>>) dst(%arg10 : memref<128x64xf32, #tpu.memory_space<vmem>>)
    %dma_start3A_70 = arith.constant 1 : i32
    %dma_start3A_71 = arith.constant 0 : i32
    %dma_start3A_72 = tpu.memref_slice %arg6[%mul3A_2, %dma_start3A_70, %dma_start3A_71] : memref<4096x200x128xf32, #tpu.memory_space<hbm>> -> memref<128x1x64xf32, #tpu.memory_space<hbm>>
    %dma_start3A_73 = tpu.memref_squeeze %dma_start3A_72 : memref<128x1x64xf32, #tpu.memory_space<hbm>> -> memref<128x64xf32, #tpu.memory_space<hbm>>
    %dma_start3A_74 = arith.constant 0 : i32
    %dma_start3A_75 = tpu.memref_slice %arg6[%mul3A_2, %dma_start3A_70, %dma_start3A_74] : memref<4096x200x128xf32, #tpu.memory_space<hbm>> -> memref<128x1x64xf32, #tpu.memory_space<hbm>>
    %dma_start3A_76 = tpu.memref_squeeze %dma_start3A_75 : memref<128x1x64xf32, #tpu.memory_space<hbm>> -> memref<128x64xf32, #tpu.memory_space<hbm>>
    tpu.enqueue_dma source(%arg10 : memref<128x64xf32, #tpu.memory_space<vmem>>) target(%dma_start3A_76 : memref<128x64xf32, #tpu.memory_space<hbm>>) target_semaphore(%arg22 : memref<!tpu.dma_semaphore, #tpu.memory_space<semaphore_mem>>)
    %dma_start3A_77 = arith.constant 1 : i32
    %dma_start3A_78 = arith.constant 64 : i32
    %dma_start3A_79 = tpu.memref_slice %arg6[%mul3A_2, %dma_start3A_77, %dma_start3A_78] : memref<4096x200x128xf32, #tpu.memory_space<hbm>> -> memref<128x1x64xf32, #tpu.memory_space<hbm>>
    %dma_start3A_80 = tpu.memref_squeeze %dma_start3A_79 : memref<128x1x64xf32, #tpu.memory_space<hbm>> -> memref<128x64xf32, #tpu.memory_space<hbm>>
    %dma_start3A_81 = arith.constant 64 : i32
    %dma_start3A_82 = tpu.memref_slice %arg6[%mul3A_2, %dma_start3A_77, %dma_start3A_81] : memref<4096x200x128xf32, #tpu.memory_space<hbm>> -> memref<128x1x64xf32, #tpu.memory_space<hbm>>
    %dma_start3A_83 = tpu.memref_squeeze %dma_start3A_82 : memref<128x1x64xf32, #tpu.memory_space<hbm>> -> memref<128x64xf32, #tpu.memory_space<hbm>>
    tpu.enqueue_dma source(%arg14 : memref<128x64xf32, #tpu.memory_space<vmem>>) target(%dma_start3A_83 : memref<128x64xf32, #tpu.memory_space<hbm>>) target_semaphore(%arg22 : memref<!tpu.dma_semaphore, #tpu.memory_space<semaphore_mem>>)
    %dma_wait3A_84 = arith.constant 0 : i32
    %dma_wait3A_85 = arith.constant 0 : i32
    %dma_wait3A_86 = tpu.memref_slice %arg6[%mul3A_2, %dma_wait3A_84, %dma_wait3A_85] : memref<4096x200x128xf32, #tpu.memory_space<hbm>> -> memref<128x1x64xf32, #tpu.memory_space<hbm>>
    %dma_wait3A_87 = tpu.memref_squeeze %dma_wait3A_86 : memref<128x1x64xf32, #tpu.memory_space<hbm>> -> memref<128x64xf32, #tpu.memory_space<hbm>>
    %dma_wait3A_88 = arith.constant 0 : i32
    %dma_wait3A_89 = tpu.memref_slice %arg6[%mul3A_2, %dma_wait3A_84, %dma_wait3A_88] : memref<4096x200x128xf32, #tpu.memory_space<hbm>> -> memref<128x1x64xf32, #tpu.memory_space<hbm>>
    %dma_wait3A_90 = tpu.memref_squeeze %dma_wait3A_89 : memref<128x1x64xf32, #tpu.memory_space<hbm>> -> memref<128x64xf32, #tpu.memory_space<hbm>>
    tpu.wait_dma2 semaphore(%arg21 : memref<!tpu.dma_semaphore, #tpu.memory_space<semaphore_mem>>) src(%arg9 : memref<128x64xf32, #tpu.memory_space<vmem>>) dst(%dma_wait3A_90 : memref<128x64xf32, #tpu.memory_space<hbm>>)
    %dma_wait3A_91 = arith.constant 0 : i32
    %dma_wait3A_92 = arith.constant 64 : i32
    %dma_wait3A_93 = tpu.memref_slice %arg6[%mul3A_2, %dma_wait3A_91, %dma_wait3A_92] : memref<4096x200x128xf32, #tpu.memory_space<hbm>> -> memref<128x1x64xf32, #tpu.memory_space<hbm>>
    %dma_wait3A_94 = tpu.memref_squeeze %dma_wait3A_93 : memref<128x1x64xf32, #tpu.memory_space<hbm>> -> memref<128x64xf32, #tpu.memory_space<hbm>>
    %dma_wait3A_95 = arith.constant 64 : i32
    %dma_wait3A_96 = tpu.memref_slice %arg6[%mul3A_2, %dma_wait3A_91, %dma_wait3A_95] : memref<4096x200x128xf32, #tpu.memory_space<hbm>> -> memref<128x1x64xf32, #tpu.memory_space<hbm>>
    %dma_wait3A_97 = tpu.memref_squeeze %dma_wait3A_96 : memref<128x1x64xf32, #tpu.memory_space<hbm>> -> memref<128x64xf32, #tpu.memory_space<hbm>>
    tpu.wait_dma2 semaphore(%arg21 : memref<!tpu.dma_semaphore, #tpu.memory_space<semaphore_mem>>) src(%arg13 : memref<128x64xf32, #tpu.memory_space<vmem>>) dst(%dma_wait3A_97 : memref<128x64xf32, #tpu.memory_space<hbm>>)
    %dma_start3A_98 = arith.constant 0 : i32
    %dma_start3A_99 = arith.constant 4 : i32
    %dma_start3A_100 = arith.constant 0 : i32
    %dma_start3A_101 = tpu.memref_slice %arg7[%dma_start3A_98, %dma_start3A_99, %dma_start3A_100] : memref<25x8x128xi32, #tpu.memory_space<vmem>> -> memref<1x1x128xi32, #tpu.memory_space<vmem>>
    %dma_start3A_102 = tpu.memref_squeeze %dma_start3A_101 : memref<1x1x128xi32, #tpu.memory_space<vmem>> -> memref<128xi32, #tpu.memory_space<vmem>>
    %dma_start3A_103 = arith.constant 0 : i32
    %dma_start3A_104 = arith.constant 0 : i32
    %dma_start3A_105 = tpu.memref_slice %arg4[%dma_start3A_103, %dma_start3A_104] : memref<1000000x64xf32, #tpu.memory_space<hbm>> -> memref<1000000x64xf32, #tpu.memory_space<hbm>>
    tpu.enqueue_indirect_dma source(%dma_start3A_105 : memref<1000000x64xf32, #tpu.memory_space<hbm>>) target(%arg9 : memref<128x64xf32, #tpu.memory_space<vmem>>) offsets(%dma_start3A_102 : memref<128xi32, #tpu.memory_space<vmem>>) semaphore(%arg17 : memref<!tpu.dma_semaphore, #tpu.memory_space<semaphore_mem>>)
    %run_scoped3A_106 = arith.constant 0 : i32
    %run_scoped3A_107 = arith.constant 2 : i32
    "tpu.region"() ({
      %run_scoped3A_376 = tpu.sem_alloc : memref<!tpu.dma_semaphore, #tpu.memory_space<semaphore_mem>>
      %dma_start3A_377 = arith.constant 0 : i32
      %dma_start3A_378 = tpu.memref_slice %arg8[%run_scoped3A_106, %run_scoped3A_107, %dma_start3A_377] : memref<25x8x128xi32, #tpu.memory_space<vmem>> -> memref<1x1x128xi32, #tpu.memory_space<vmem>>
      %dma_start3A_379 = tpu.memref_squeeze %dma_start3A_378 : memref<1x1x128xi32, #tpu.memory_space<vmem>> -> memref<128xi32, #tpu.memory_space<vmem>>
      %dma_start3A_380 = arith.constant 0 : i32
      %dma_start3A_381 = arith.constant 0 : i32
      %dma_start3A_382 = tpu.memref_slice %arg25[%dma_start3A_380, %dma_start3A_381] : memref<2048x64xf32, #tpu.memory_space<vmem_shared>> -> memref<2048x64xf32, #tpu.memory_space<vmem_shared>>
      tpu.enqueue_indirect_dma source(%dma_start3A_382 : memref<2048x64xf32, #tpu.memory_space<vmem_shared>>) target(%arg15 : memref<128x64xf32, #tpu.memory_space<vmem>>) offsets(%dma_start3A_379 : memref<128xi32, #tpu.memory_space<vmem>>) semaphore(%run_scoped3A_376 : memref<!tpu.dma_semaphore, #tpu.memory_space<semaphore_mem>>)
      %dma_wait3A_383 = arith.constant 0 : i32
      %dma_wait3A_384 = tpu.memref_slice %arg8[%run_scoped3A_106, %run_scoped3A_107, %dma_wait3A_383] : memref<25x8x128xi32, #tpu.memory_space<vmem>> -> memref<1x1x128xi32, #tpu.memory_space<vmem>>
      %dma_wait3A_385 = tpu.memref_squeeze %dma_wait3A_384 : memref<1x1x128xi32, #tpu.memory_space<vmem>> -> memref<128xi32, #tpu.memory_space<vmem>>
      %dma_wait3A_386 = arith.constant 0 : i32
      %dma_wait3A_387 = arith.constant 0 : i32
      %dma_wait3A_388 = tpu.memref_slice %arg25[%dma_wait3A_386, %dma_wait3A_387] : memref<2048x64xf32, #tpu.memory_space<vmem_shared>> -> memref<2048x64xf32, #tpu.memory_space<vmem_shared>>
      tpu.wait_indirect_dma semaphore(%run_scoped3A_376 : memref<!tpu.dma_semaphore, #tpu.memory_space<semaphore_mem>>) src(%dma_wait3A_388 : memref<2048x64xf32, #tpu.memory_space<vmem_shared>>) dst(%arg15 : memref<128x64xf32, #tpu.memory_space<vmem>>)
      tpu.yield
    }) : () -> ()
    %dma_wait3A_108 = arith.constant 0 : i32
    %dma_wait3A_109 = arith.constant 0 : i32
    %dma_wait3A_110 = arith.constant 0 : i32
    %dma_wait3A_111 = tpu.memref_slice %arg7[%dma_wait3A_108, %dma_wait3A_109, %dma_wait3A_110] : memref<25x8x128xi32, #tpu.memory_space<vmem>> -> memref<1x1x128xi32, #tpu.memory_space<vmem>>
    %dma_wait3A_112 = tpu.memref_squeeze %dma_wait3A_111 : memref<1x1x128xi32, #tpu.memory_space<vmem>> -> memref<128xi32, #tpu.memory_space<vmem>>
    %dma_wait3A_113 = arith.constant 0 : i32
    %dma_wait3A_114 = arith.constant 0 : i32
    %dma_wait3A_115 = tpu.memref_slice %arg4[%dma_wait3A_113, %dma_wait3A_114] : memref<1000000x64xf32, #tpu.memory_space<hbm>> -> memref<1000000x64xf32, #tpu.memory_space<hbm>>
    tpu.wait_indirect_dma semaphore(%arg19 : memref<!tpu.dma_semaphore, #tpu.memory_space<semaphore_mem>>) src(%dma_wait3A_115 : memref<1000000x64xf32, #tpu.memory_space<hbm>>) dst(%arg11 : memref<128x64xf32, #tpu.memory_space<vmem>>)
    %dma_start3A_116 = arith.constant 2 : i32
    %dma_start3A_117 = arith.constant 0 : i32
    %dma_start3A_118 = tpu.memref_slice %arg6[%mul3A_2, %dma_start3A_116, %dma_start3A_117] : memref<4096x200x128xf32, #tpu.memory_space<hbm>> -> memref<128x1x64xf32, #tpu.memory_space<hbm>>
    %dma_start3A_119 = tpu.memref_squeeze %dma_start3A_118 : memref<128x1x64xf32, #tpu.memory_space<hbm>> -> memref<128x64xf32, #tpu.memory_space<hbm>>
    %dma_start3A_120 = arith.constant 0 : i32
    %dma_start3A_121 = tpu.memref_slice %arg6[%mul3A_2, %dma_start3A_116, %dma_start3A_120] : memref<4096x200x128xf32, #tpu.memory_space<hbm>> -> memref<128x1x64xf32, #tpu.memory_space<hbm>>
    %dma_start3A_122 = tpu.memref_squeeze %dma_start3A_121 : memref<128x1x64xf32, #tpu.memory_space<hbm>> -> memref<128x64xf32, #tpu.memory_space<hbm>>
    tpu.enqueue_dma source(%arg11 : memref<128x64xf32, #tpu.memory_space<vmem>>) target(%dma_start3A_122 : memref<128x64xf32, #tpu.memory_space<hbm>>) target_semaphore(%arg23 : memref<!tpu.dma_semaphore, #tpu.memory_space<semaphore_mem>>)
    %dma_start3A_123 = arith.constant 2 : i32
    %dma_start3A_124 = arith.constant 64 : i32
    %dma_start3A_125 = tpu.memref_slice %arg6[%mul3A_2, %dma_start3A_123, %dma_start3A_124] : memref<4096x200x128xf32, #tpu.memory_space<hbm>> -> memref<128x1x64xf32, #tpu.memory_space<hbm>>
    %dma_start3A_126 = tpu.memref_squeeze %dma_start3A_125 : memref<128x1x64xf32, #tpu.memory_space<hbm>> -> memref<128x64xf32, #tpu.memory_space<hbm>>
    %dma_start3A_127 = arith.constant 64 : i32
    %dma_start3A_128 = tpu.memref_slice %arg6[%mul3A_2, %dma_start3A_123, %dma_start3A_127] : memref<4096x200x128xf32, #tpu.memory_space<hbm>> -> memref<128x1x64xf32, #tpu.memory_space<hbm>>
    %dma_start3A_129 = tpu.memref_squeeze %dma_start3A_128 : memref<128x1x64xf32, #tpu.memory_space<hbm>> -> memref<128x64xf32, #tpu.memory_space<hbm>>
    tpu.enqueue_dma source(%arg15 : memref<128x64xf32, #tpu.memory_space<vmem>>) target(%dma_start3A_129 : memref<128x64xf32, #tpu.memory_space<hbm>>) target_semaphore(%arg23 : memref<!tpu.dma_semaphore, #tpu.memory_space<semaphore_mem>>)
    %dma_wait3A_130 = arith.constant 1 : i32
    %dma_wait3A_131 = arith.constant 0 : i32
    %dma_wait3A_132 = tpu.memref_slice %arg6[%mul3A_2, %dma_wait3A_130, %dma_wait3A_131] : memref<4096x200x128xf32, #tpu.memory_space<hbm>> -> memref<128x1x64xf32, #tpu.memory_space<hbm>>
    %dma_wait3A_133 = tpu.memref_squeeze %dma_wait3A_132 : memref<128x1x64xf32, #tpu.memory_space<hbm>> -> memref<128x64xf32, #tpu.memory_space<hbm>>
    %dma_wait3A_134 = arith.constant 0 : i32
    %dma_wait3A_135 = tpu.memref_slice %arg6[%mul3A_2, %dma_wait3A_130, %dma_wait3A_134] : memref<4096x200x128xf32, #tpu.memory_space<hbm>> -> memref<128x1x64xf32, #tpu.memory_space<hbm>>
    %dma_wait3A_136 = tpu.memref_squeeze %dma_wait3A_135 : memref<128x1x64xf32, #tpu.memory_space<hbm>> -> memref<128x64xf32, #tpu.memory_space<hbm>>
    tpu.wait_dma2 semaphore(%arg22 : memref<!tpu.dma_semaphore, #tpu.memory_space<semaphore_mem>>) src(%arg10 : memref<128x64xf32, #tpu.memory_space<vmem>>) dst(%dma_wait3A_136 : memref<128x64xf32, #tpu.memory_space<hbm>>)
    %dma_wait3A_137 = arith.constant 1 : i32
    %dma_wait3A_138 = arith.constant 64 : i32
    %dma_wait3A_139 = tpu.memref_slice %arg6[%mul3A_2, %dma_wait3A_137, %dma_wait3A_138] : memref<4096x200x128xf32, #tpu.memory_space<hbm>> -> memref<128x1x64xf32, #tpu.memory_space<hbm>>
    %dma_wait3A_140 = tpu.memref_squeeze %dma_wait3A_139 : memref<128x1x64xf32, #tpu.memory_space<hbm>> -> memref<128x64xf32, #tpu.memory_space<hbm>>
    %dma_wait3A_141 = arith.constant 64 : i32
    %dma_wait3A_142 = tpu.memref_slice %arg6[%mul3A_2, %dma_wait3A_137, %dma_wait3A_141] : memref<4096x200x128xf32, #tpu.memory_space<hbm>> -> memref<128x1x64xf32, #tpu.memory_space<hbm>>
    %dma_wait3A_143 = tpu.memref_squeeze %dma_wait3A_142 : memref<128x1x64xf32, #tpu.memory_space<hbm>> -> memref<128x64xf32, #tpu.memory_space<hbm>>
    tpu.wait_dma2 semaphore(%arg22 : memref<!tpu.dma_semaphore, #tpu.memory_space<semaphore_mem>>) src(%arg14 : memref<128x64xf32, #tpu.memory_space<vmem>>) dst(%dma_wait3A_143 : memref<128x64xf32, #tpu.memory_space<hbm>>)
    %dma_start3A_144 = arith.constant 0 : i32
    %dma_start3A_145 = arith.constant 5 : i32
    %dma_start3A_146 = arith.constant 0 : i32
    %dma_start3A_147 = tpu.memref_slice %arg7[%dma_start3A_144, %dma_start3A_145, %dma_start3A_146] : memref<25x8x128xi32, #tpu.memory_space<vmem>> -> memref<1x1x128xi32, #tpu.memory_space<vmem>>
    %dma_start3A_148 = tpu.memref_squeeze %dma_start3A_147 : memref<1x1x128xi32, #tpu.memory_space<vmem>> -> memref<128xi32, #tpu.memory_space<vmem>>
    %dma_start3A_149 = arith.constant 0 : i32
    %dma_start3A_150 = arith.constant 0 : i32
    %dma_start3A_151 = tpu.memref_slice %arg4[%dma_start3A_149, %dma_start3A_150] : memref<1000000x64xf32, #tpu.memory_space<hbm>> -> memref<1000000x64xf32, #tpu.memory_space<hbm>>
    tpu.enqueue_indirect_dma source(%dma_start3A_151 : memref<1000000x64xf32, #tpu.memory_space<hbm>>) target(%arg10 : memref<128x64xf32, #tpu.memory_space<vmem>>) offsets(%dma_start3A_148 : memref<128xi32, #tpu.memory_space<vmem>>) semaphore(%arg18 : memref<!tpu.dma_semaphore, #tpu.memory_space<semaphore_mem>>)
    %run_scoped3A_152 = arith.constant 0 : i32
    %run_scoped3A_153 = arith.constant 3 : i32
    "tpu.region"() ({
      %run_scoped3A_376 = tpu.sem_alloc : memref<!tpu.dma_semaphore, #tpu.memory_space<semaphore_mem>>
      %dma_start3A_377 = arith.constant 0 : i32
      %dma_start3A_378 = tpu.memref_slice %arg8[%run_scoped3A_152, %run_scoped3A_153, %dma_start3A_377] : memref<25x8x128xi32, #tpu.memory_space<vmem>> -> memref<1x1x128xi32, #tpu.memory_space<vmem>>
      %dma_start3A_379 = tpu.memref_squeeze %dma_start3A_378 : memref<1x1x128xi32, #tpu.memory_space<vmem>> -> memref<128xi32, #tpu.memory_space<vmem>>
      %dma_start3A_380 = arith.constant 0 : i32
      %dma_start3A_381 = arith.constant 0 : i32
      %dma_start3A_382 = tpu.memref_slice %arg25[%dma_start3A_380, %dma_start3A_381] : memref<2048x64xf32, #tpu.memory_space<vmem_shared>> -> memref<2048x64xf32, #tpu.memory_space<vmem_shared>>
      tpu.enqueue_indirect_dma source(%dma_start3A_382 : memref<2048x64xf32, #tpu.memory_space<vmem_shared>>) target(%arg16 : memref<128x64xf32, #tpu.memory_space<vmem>>) offsets(%dma_start3A_379 : memref<128xi32, #tpu.memory_space<vmem>>) semaphore(%run_scoped3A_376 : memref<!tpu.dma_semaphore, #tpu.memory_space<semaphore_mem>>)
      %dma_wait3A_383 = arith.constant 0 : i32
      %dma_wait3A_384 = tpu.memref_slice %arg8[%run_scoped3A_152, %run_scoped3A_153, %dma_wait3A_383] : memref<25x8x128xi32, #tpu.memory_space<vmem>> -> memref<1x1x128xi32, #tpu.memory_space<vmem>>
      %dma_wait3A_385 = tpu.memref_squeeze %dma_wait3A_384 : memref<1x1x128xi32, #tpu.memory_space<vmem>> -> memref<128xi32, #tpu.memory_space<vmem>>
      %dma_wait3A_386 = arith.constant 0 : i32
      %dma_wait3A_387 = arith.constant 0 : i32
      %dma_wait3A_388 = tpu.memref_slice %arg25[%dma_wait3A_386, %dma_wait3A_387] : memref<2048x64xf32, #tpu.memory_space<vmem_shared>> -> memref<2048x64xf32, #tpu.memory_space<vmem_shared>>
      tpu.wait_indirect_dma semaphore(%run_scoped3A_376 : memref<!tpu.dma_semaphore, #tpu.memory_space<semaphore_mem>>) src(%dma_wait3A_388 : memref<2048x64xf32, #tpu.memory_space<vmem_shared>>) dst(%arg16 : memref<128x64xf32, #tpu.memory_space<vmem>>)
      tpu.yield
    }) : () -> ()
    %dma_wait3A_154 = arith.constant 0 : i32
    %dma_wait3A_155 = arith.constant 0 : i32
    %dma_wait3A_156 = arith.constant 0 : i32
    %dma_wait3A_157 = tpu.memref_slice %arg7[%dma_wait3A_154, %dma_wait3A_155, %dma_wait3A_156] : memref<25x8x128xi32, #tpu.memory_space<vmem>> -> memref<1x1x128xi32, #tpu.memory_space<vmem>>
    %dma_wait3A_158 = tpu.memref_squeeze %dma_wait3A_157 : memref<1x1x128xi32, #tpu.memory_space<vmem>> -> memref<128xi32, #tpu.memory_space<vmem>>
    %dma_wait3A_159 = arith.constant 0 : i32
    %dma_wait3A_160 = arith.constant 0 : i32
    %dma_wait3A_161 = tpu.memref_slice %arg4[%dma_wait3A_159, %dma_wait3A_160] : memref<1000000x64xf32, #tpu.memory_space<hbm>> -> memref<1000000x64xf32, #tpu.memory_space<hbm>>
    tpu.wait_indirect_dma semaphore(%arg20 : memref<!tpu.dma_semaphore, #tpu.memory_space<semaphore_mem>>) src(%dma_wait3A_161 : memref<1000000x64xf32, #tpu.memory_space<hbm>>) dst(%arg12 : memref<128x64xf32, #tpu.memory_space<vmem>>)
    %dma_start3A_162 = arith.constant 3 : i32
    %dma_start3A_163 = arith.constant 0 : i32
    %dma_start3A_164 = tpu.memref_slice %arg6[%mul3A_2, %dma_start3A_162, %dma_start3A_163] : memref<4096x200x128xf32, #tpu.memory_space<hbm>> -> memref<128x1x64xf32, #tpu.memory_space<hbm>>
    %dma_start3A_165 = tpu.memref_squeeze %dma_start3A_164 : memref<128x1x64xf32, #tpu.memory_space<hbm>> -> memref<128x64xf32, #tpu.memory_space<hbm>>
    %dma_start3A_166 = arith.constant 0 : i32
    %dma_start3A_167 = tpu.memref_slice %arg6[%mul3A_2, %dma_start3A_162, %dma_start3A_166] : memref<4096x200x128xf32, #tpu.memory_space<hbm>> -> memref<128x1x64xf32, #tpu.memory_space<hbm>>
    %dma_start3A_168 = tpu.memref_squeeze %dma_start3A_167 : memref<128x1x64xf32, #tpu.memory_space<hbm>> -> memref<128x64xf32, #tpu.memory_space<hbm>>
    tpu.enqueue_dma source(%arg12 : memref<128x64xf32, #tpu.memory_space<vmem>>) target(%dma_start3A_168 : memref<128x64xf32, #tpu.memory_space<hbm>>) target_semaphore(%arg24 : memref<!tpu.dma_semaphore, #tpu.memory_space<semaphore_mem>>)
    %dma_start3A_169 = arith.constant 3 : i32
    %dma_start3A_170 = arith.constant 64 : i32
    %dma_start3A_171 = tpu.memref_slice %arg6[%mul3A_2, %dma_start3A_169, %dma_start3A_170] : memref<4096x200x128xf32, #tpu.memory_space<hbm>> -> memref<128x1x64xf32, #tpu.memory_space<hbm>>
    %dma_start3A_172 = tpu.memref_squeeze %dma_start3A_171 : memref<128x1x64xf32, #tpu.memory_space<hbm>> -> memref<128x64xf32, #tpu.memory_space<hbm>>
    %dma_start3A_173 = arith.constant 64 : i32
    %dma_start3A_174 = tpu.memref_slice %arg6[%mul3A_2, %dma_start3A_169, %dma_start3A_173] : memref<4096x200x128xf32, #tpu.memory_space<hbm>> -> memref<128x1x64xf32, #tpu.memory_space<hbm>>
    %dma_start3A_175 = tpu.memref_squeeze %dma_start3A_174 : memref<128x1x64xf32, #tpu.memory_space<hbm>> -> memref<128x64xf32, #tpu.memory_space<hbm>>
    tpu.enqueue_dma source(%arg16 : memref<128x64xf32, #tpu.memory_space<vmem>>) target(%dma_start3A_175 : memref<128x64xf32, #tpu.memory_space<hbm>>) target_semaphore(%arg24 : memref<!tpu.dma_semaphore, #tpu.memory_space<semaphore_mem>>)
    %scan3A = arith.constant 0 : i32
    %scan3A_176 = arith.constant 48 : i32
    %scan3A_177 = arith.addi %scan3A, %scan3A_176 : i32
    %scan3A_178 = arith.constant 1 : i32
    scf.for %scan3A_376 = %scan3A to %scan3A_177 step %scan3A_178  : i32 {
      %mul3A_377 = arith.constant 4 : i32
      %mul3A_378 = arith.muli %scan3A_376, %mul3A_377 : i32
      %add3A_379 = arith.constant 4 : i32
      %add3A_380 = arith.addi %add3A_379, %mul3A_378 : i32
      %add3A_381 = arith.constant 0 : i32
      %add3A_382 = arith.addi %add3A_380, %add3A_381 : i32
      %add3A_383 = arith.constant 2 : i32
      %add3A_384 = arith.addi %add3A_382, %add3A_383 : i32
      %sub3A = arith.constant 4 : i32
      %sub3A_385 = arith.subi %add3A_384, %sub3A : i32
      %dma_wait3A_386 = arith.constant 0 : i32
      %dma_wait3A_387 = tpu.memref_slice %arg6[%mul3A_2, %sub3A_385, %dma_wait3A_386] : memref<4096x200x128xf32, #tpu.memory_space<hbm>> -> memref<128x1x64xf32, #tpu.memory_space<hbm>>
      %dma_wait3A_388 = tpu.memref_squeeze %dma_wait3A_387 : memref<128x1x64xf32, #tpu.memory_space<hbm>> -> memref<128x64xf32, #tpu.memory_space<hbm>>
      %dma_wait3A_389 = arith.constant 0 : i32
      %dma_wait3A_390 = tpu.memref_slice %arg6[%mul3A_2, %sub3A_385, %dma_wait3A_389] : memref<4096x200x128xf32, #tpu.memory_space<hbm>> -> memref<128x1x64xf32, #tpu.memory_space<hbm>>
      %dma_wait3A_391 = tpu.memref_squeeze %dma_wait3A_390 : memref<128x1x64xf32, #tpu.memory_space<hbm>> -> memref<128x64xf32, #tpu.memory_space<hbm>>
      tpu.wait_dma2 semaphore(%arg23 : memref<!tpu.dma_semaphore, #tpu.memory_space<semaphore_mem>>) src(%arg11 : memref<128x64xf32, #tpu.memory_space<vmem>>) dst(%dma_wait3A_391 : memref<128x64xf32, #tpu.memory_space<hbm>>)
      %dma_wait3A_392 = arith.constant 64 : i32
      %dma_wait3A_393 = tpu.memref_slice %arg6[%mul3A_2, %sub3A_385, %dma_wait3A_392] : memref<4096x200x128xf32, #tpu.memory_space<hbm>> -> memref<128x1x64xf32, #tpu.memory_space<hbm>>
      %dma_wait3A_394 = tpu.memref_squeeze %dma_wait3A_393 : memref<128x1x64xf32, #tpu.memory_space<hbm>> -> memref<128x64xf32, #tpu.memory_space<hbm>>
      %dma_wait3A_395 = arith.constant 64 : i32
      %dma_wait3A_396 = tpu.memref_slice %arg6[%mul3A_2, %sub3A_385, %dma_wait3A_395] : memref<4096x200x128xf32, #tpu.memory_space<hbm>> -> memref<128x1x64xf32, #tpu.memory_space<hbm>>
      %dma_wait3A_397 = tpu.memref_squeeze %dma_wait3A_396 : memref<128x1x64xf32, #tpu.memory_space<hbm>> -> memref<128x64xf32, #tpu.memory_space<hbm>>
      tpu.wait_dma2 semaphore(%arg23 : memref<!tpu.dma_semaphore, #tpu.memory_space<semaphore_mem>>) src(%arg15 : memref<128x64xf32, #tpu.memory_space<vmem>>) dst(%dma_wait3A_397 : memref<128x64xf32, #tpu.memory_space<hbm>>)
      %add3A_398 = arith.constant 2 : i32
      %add3A_399 = arith.addi %add3A_382, %add3A_398 : i32
      %jit3A = arith.constant 8 : i32
      %div3A = arith.divsi %add3A_399, %jit3A : i32
      %sign3A = arith.constant 0 : i32
      %sign3A_400 = arith.cmpi sgt, %add3A_399, %sign3A : i32
      %sign3A_401 = arith.extui %sign3A_400 : i1 to i32
      %sign3A_402 = arith.constant 0 : i32
      %sign3A_403 = arith.cmpi slt, %add3A_399, %sign3A_402 : i32
      %sign3A_404 = arith.extui %sign3A_403 : i1 to i32
      %sign3A_405 = arith.subi %sign3A_401, %sign3A_404 : i32
      %sign3A_406 = arith.constant 0 : i32
      %sign3A_407 = arith.cmpi sgt, %jit3A, %sign3A_406 : i32
      %sign3A_408 = arith.extui %sign3A_407 : i1 to i32
      %sign3A_409 = arith.constant 0 : i32
      %sign3A_410 = arith.cmpi slt, %jit3A, %sign3A_409 : i32
      %sign3A_411 = arith.extui %sign3A_410 : i1 to i32
      %sign3A_412 = arith.subi %sign3A_408, %sign3A_411 : i32
      %ne3A = arith.cmpi ne, %sign3A_405, %sign3A_412 : i32
      %rem3A = arith.remsi %add3A_399, %jit3A : i32
      %ne3A_413 = arith.constant 0 : i32
      %ne3A_414 = arith.cmpi ne, %rem3A, %ne3A_413 : i32
      %and3A = arith.andi %ne3A, %ne3A_414 : i1
      %sub3A_415 = arith.constant 1 : i32
      %sub3A_416 = arith.subi %div3A, %sub3A_415 : i32
      %select_n3A = arith.select %and3A, %sub3A_416, %div3A : i32
      %jit3A_417 = arith.constant 8 : i32
      %eq3A = arith.constant 0 : i32
      %eq3A_418 = arith.cmpi eq, %jit3A_417, %eq3A : i32
      %jit3A_419 = arith.constant 1 : i32
      %select_n3A_420 = arith.select %eq3A_418, %jit3A_419, %jit3A_417 : i32
      %rem3A_421 = arith.remsi %add3A_399, %select_n3A_420 : i32
      %ne3A_422 = arith.constant 0 : i32
      %ne3A_423 = arith.cmpi ne, %rem3A_421, %ne3A_422 : i32
      %lt3A = arith.constant 0 : i32
      %lt3A_424 = arith.cmpi slt, %rem3A_421, %lt3A : i32
      %lt3A_425 = arith.constant 0 : i32
      %lt3A_426 = arith.cmpi slt, %select_n3A_420, %lt3A_425 : i32
      %ne3A_427 = arith.xori %lt3A_424, %lt3A_426 : i1
      %and3A_428 = arith.andi %ne3A_427, %ne3A_423 : i1
      %add3A_429 = arith.addi %rem3A_421, %select_n3A_420 : i32
      %select_n3A_430 = arith.select %and3A_428, %add3A_429, %rem3A_421 : i32
      %dma_start3A_431 = arith.constant 0 : i32
      %dma_start3A_432 = tpu.memref_slice %arg7[%select_n3A, %select_n3A_430, %dma_start3A_431] : memref<25x8x128xi32, #tpu.memory_space<vmem>> -> memref<1x1x128xi32, #tpu.memory_space<vmem>>
      %dma_start3A_433 = tpu.memref_squeeze %dma_start3A_432 : memref<1x1x128xi32, #tpu.memory_space<vmem>> -> memref<128xi32, #tpu.memory_space<vmem>>
      %dma_start3A_434 = arith.constant 0 : i32
      %dma_start3A_435 = arith.constant 0 : i32
      %dma_start3A_436 = tpu.memref_slice %arg4[%dma_start3A_434, %dma_start3A_435] : memref<1000000x64xf32, #tpu.memory_space<hbm>> -> memref<1000000x64xf32, #tpu.memory_space<hbm>>
      tpu.enqueue_indirect_dma source(%dma_start3A_436 : memref<1000000x64xf32, #tpu.memory_space<hbm>>) target(%arg11 : memref<128x64xf32, #tpu.memory_space<vmem>>) offsets(%dma_start3A_433 : memref<128xi32, #tpu.memory_space<vmem>>) semaphore(%arg19 : memref<!tpu.dma_semaphore, #tpu.memory_space<semaphore_mem>>)
      %jit3A_437 = arith.constant 8 : i32
      %div3A_438 = arith.divsi %add3A_382, %jit3A_437 : i32
      %sign3A_439 = arith.constant 0 : i32
      %sign3A_440 = arith.cmpi sgt, %add3A_382, %sign3A_439 : i32
      %sign3A_441 = arith.extui %sign3A_440 : i1 to i32
      %sign3A_442 = arith.constant 0 : i32
      %sign3A_443 = arith.cmpi slt, %add3A_382, %sign3A_442 : i32
      %sign3A_444 = arith.extui %sign3A_443 : i1 to i32
      %sign3A_445 = arith.subi %sign3A_441, %sign3A_444 : i32
      %sign3A_446 = arith.constant 0 : i32
      %sign3A_447 = arith.cmpi sgt, %jit3A_437, %sign3A_446 : i32
      %sign3A_448 = arith.extui %sign3A_447 : i1 to i32
      %sign3A_449 = arith.constant 0 : i32
      %sign3A_450 = arith.cmpi slt, %jit3A_437, %sign3A_449 : i32
      %sign3A_451 = arith.extui %sign3A_450 : i1 to i32
      %sign3A_452 = arith.subi %sign3A_448, %sign3A_451 : i32
      %ne3A_453 = arith.cmpi ne, %sign3A_445, %sign3A_452 : i32
      %rem3A_454 = arith.remsi %add3A_382, %jit3A_437 : i32
      %ne3A_455 = arith.constant 0 : i32
      %ne3A_456 = arith.cmpi ne, %rem3A_454, %ne3A_455 : i32
      %and3A_457 = arith.andi %ne3A_453, %ne3A_456 : i1
      %sub3A_458 = arith.constant 1 : i32
      %sub3A_459 = arith.subi %div3A_438, %sub3A_458 : i32
      %select_n3A_460 = arith.select %and3A_457, %sub3A_459, %div3A_438 : i32
      %jit3A_461 = arith.constant 8 : i32
      %eq3A_462 = arith.constant 0 : i32
      %eq3A_463 = arith.cmpi eq, %jit3A_461, %eq3A_462 : i32
      %jit3A_464 = arith.constant 1 : i32
      %select_n3A_465 = arith.select %eq3A_463, %jit3A_464, %jit3A_461 : i32
      %rem3A_466 = arith.remsi %add3A_382, %select_n3A_465 : i32
      %ne3A_467 = arith.constant 0 : i32
      %ne3A_468 = arith.cmpi ne, %rem3A_466, %ne3A_467 : i32
      %lt3A_469 = arith.constant 0 : i32
      %lt3A_470 = arith.cmpi slt, %rem3A_466, %lt3A_469 : i32
      %lt3A_471 = arith.constant 0 : i32
      %lt3A_472 = arith.cmpi slt, %select_n3A_465, %lt3A_471 : i32
      %ne3A_473 = arith.xori %lt3A_470, %lt3A_472 : i1
      %and3A_474 = arith.andi %ne3A_473, %ne3A_468 : i1
      %add3A_475 = arith.addi %rem3A_466, %select_n3A_465 : i32
      %select_n3A_476 = arith.select %and3A_474, %add3A_475, %rem3A_466 : i32
      "tpu.region"() ({
        %run_scoped3A_875 = tpu.sem_alloc : memref<!tpu.dma_semaphore, #tpu.memory_space<semaphore_mem>>
        %dma_start3A_876 = arith.constant 0 : i32
        %dma_start3A_877 = tpu.memref_slice %arg8[%select_n3A_460, %select_n3A_476, %dma_start3A_876] : memref<25x8x128xi32, #tpu.memory_space<vmem>> -> memref<1x1x128xi32, #tpu.memory_space<vmem>>
        %dma_start3A_878 = tpu.memref_squeeze %dma_start3A_877 : memref<1x1x128xi32, #tpu.memory_space<vmem>> -> memref<128xi32, #tpu.memory_space<vmem>>
        %dma_start3A_879 = arith.constant 0 : i32
        %dma_start3A_880 = arith.constant 0 : i32
        %dma_start3A_881 = tpu.memref_slice %arg25[%dma_start3A_879, %dma_start3A_880] : memref<2048x64xf32, #tpu.memory_space<vmem_shared>> -> memref<2048x64xf32, #tpu.memory_space<vmem_shared>>
        tpu.enqueue_indirect_dma source(%dma_start3A_881 : memref<2048x64xf32, #tpu.memory_space<vmem_shared>>) target(%arg13 : memref<128x64xf32, #tpu.memory_space<vmem>>) offsets(%dma_start3A_878 : memref<128xi32, #tpu.memory_space<vmem>>) semaphore(%run_scoped3A_875 : memref<!tpu.dma_semaphore, #tpu.memory_space<semaphore_mem>>)
        %dma_wait3A_882 = arith.constant 0 : i32
        %dma_wait3A_883 = tpu.memref_slice %arg8[%select_n3A_460, %select_n3A_476, %dma_wait3A_882] : memref<25x8x128xi32, #tpu.memory_space<vmem>> -> memref<1x1x128xi32, #tpu.memory_space<vmem>>
        %dma_wait3A_884 = tpu.memref_squeeze %dma_wait3A_883 : memref<1x1x128xi32, #tpu.memory_space<vmem>> -> memref<128xi32, #tpu.memory_space<vmem>>
        %dma_wait3A_885 = arith.constant 0 : i32
        %dma_wait3A_886 = arith.constant 0 : i32
        %dma_wait3A_887 = tpu.memref_slice %arg25[%dma_wait3A_885, %dma_wait3A_886] : memref<2048x64xf32, #tpu.memory_space<vmem_shared>> -> memref<2048x64xf32, #tpu.memory_space<vmem_shared>>
        tpu.wait_indirect_dma semaphore(%run_scoped3A_875 : memref<!tpu.dma_semaphore, #tpu.memory_space<semaphore_mem>>) src(%dma_wait3A_887 : memref<2048x64xf32, #tpu.memory_space<vmem_shared>>) dst(%arg13 : memref<128x64xf32, #tpu.memory_space<vmem>>)
        tpu.yield
      }) : () -> ()
      %dma_wait3A_477 = arith.constant 0 : i32
      %dma_wait3A_478 = arith.constant 0 : i32
      %dma_wait3A_479 = arith.constant 0 : i32
      %dma_wait3A_480 = tpu.memref_slice %arg7[%dma_wait3A_477, %dma_wait3A_478, %dma_wait3A_479] : memref<25x8x128xi32, #tpu.memory_space<vmem>> -> memref<1x1x128xi32, #tpu.memory_space<vmem>>
      %dma_wait3A_481 = tpu.memref_squeeze %dma_wait3A_480 : memref<1x1x128xi32, #tpu.memory_space<vmem>> -> memref<128xi32, #tpu.memory_space<vmem>>
      %dma_wait3A_482 = arith.constant 0 : i32
      %dma_wait3A_483 = arith.constant 0 : i32
      %dma_wait3A_484 = tpu.memref_slice %arg4[%dma_wait3A_482, %dma_wait3A_483] : memref<1000000x64xf32, #tpu.memory_space<hbm>> -> memref<1000000x64xf32, #tpu.memory_space<hbm>>
      tpu.wait_indirect_dma semaphore(%arg17 : memref<!tpu.dma_semaphore, #tpu.memory_space<semaphore_mem>>) src(%dma_wait3A_484 : memref<1000000x64xf32, #tpu.memory_space<hbm>>) dst(%arg9 : memref<128x64xf32, #tpu.memory_space<vmem>>)
      %dma_start3A_485 = arith.constant 0 : i32
      %dma_start3A_486 = tpu.memref_slice %arg6[%mul3A_2, %add3A_382, %dma_start3A_485] : memref<4096x200x128xf32, #tpu.memory_space<hbm>> -> memref<128x1x64xf32, #tpu.memory_space<hbm>>
      %dma_start3A_487 = tpu.memref_squeeze %dma_start3A_486 : memref<128x1x64xf32, #tpu.memory_space<hbm>> -> memref<128x64xf32, #tpu.memory_space<hbm>>
      %dma_start3A_488 = arith.constant 0 : i32
      %dma_start3A_489 = tpu.memref_slice %arg6[%mul3A_2, %add3A_382, %dma_start3A_488] : memref<4096x200x128xf32, #tpu.memory_space<hbm>> -> memref<128x1x64xf32, #tpu.memory_space<hbm>>
      %dma_start3A_490 = tpu.memref_squeeze %dma_start3A_489 : memref<128x1x64xf32, #tpu.memory_space<hbm>> -> memref<128x64xf32, #tpu.memory_space<hbm>>
      tpu.enqueue_dma source(%arg9 : memref<128x64xf32, #tpu.memory_space<vmem>>) target(%dma_start3A_490 : memref<128x64xf32, #tpu.memory_space<hbm>>) target_semaphore(%arg21 : memref<!tpu.dma_semaphore, #tpu.memory_space<semaphore_mem>>)
      %dma_start3A_491 = arith.constant 64 : i32
      %dma_start3A_492 = tpu.memref_slice %arg6[%mul3A_2, %add3A_382, %dma_start3A_491] : memref<4096x200x128xf32, #tpu.memory_space<hbm>> -> memref<128x1x64xf32, #tpu.memory_space<hbm>>
      %dma_start3A_493 = tpu.memref_squeeze %dma_start3A_492 : memref<128x1x64xf32, #tpu.memory_space<hbm>> -> memref<128x64xf32, #tpu.memory_space<hbm>>
      %dma_start3A_494 = arith.constant 64 : i32
      %dma_start3A_495 = tpu.memref_slice %arg6[%mul3A_2, %add3A_382, %dma_start3A_494] : memref<4096x200x128xf32, #tpu.memory_space<hbm>> -> memref<128x1x64xf32, #tpu.memory_space<hbm>>
      %dma_start3A_496 = tpu.memref_squeeze %dma_start3A_495 : memref<128x1x64xf32, #tpu.memory_space<hbm>> -> memref<128x64xf32, #tpu.memory_space<hbm>>
      tpu.enqueue_dma source(%arg13 : memref<128x64xf32, #tpu.memory_space<vmem>>) target(%dma_start3A_496 : memref<128x64xf32, #tpu.memory_space<hbm>>) target_semaphore(%arg21 : memref<!tpu.dma_semaphore, #tpu.memory_space<semaphore_mem>>)
      %add3A_497 = arith.constant 1 : i32
      %add3A_498 = arith.addi %add3A_380, %add3A_497 : i32
      %add3A_499 = arith.constant 2 : i32
      %add3A_500 = arith.addi %add3A_498, %add3A_499 : i32
      %sub3A_501 = arith.constant 4 : i32
      %sub3A_502 = arith.subi %add3A_500, %sub3A_501 : i32
      %dma_wait3A_503 = arith.constant 0 : i32
      %dma_wait3A_504 = tpu.memref_slice %arg6[%mul3A_2, %sub3A_502, %dma_wait3A_503] : memref<4096x200x128xf32, #tpu.memory_space<hbm>> -> memref<128x1x64xf32, #tpu.memory_space<hbm>>
      %dma_wait3A_505 = tpu.memref_squeeze %dma_wait3A_504 : memref<128x1x64xf32, #tpu.memory_space<hbm>> -> memref<128x64xf32, #tpu.memory_space<hbm>>
      %dma_wait3A_506 = arith.constant 0 : i32
      %dma_wait3A_507 = tpu.memref_slice %arg6[%mul3A_2, %sub3A_502, %dma_wait3A_506] : memref<4096x200x128xf32, #tpu.memory_space<hbm>> -> memref<128x1x64xf32, #tpu.memory_space<hbm>>
      %dma_wait3A_508 = tpu.memref_squeeze %dma_wait3A_507 : memref<128x1x64xf32, #tpu.memory_space<hbm>> -> memref<128x64xf32, #tpu.memory_space<hbm>>
      tpu.wait_dma2 semaphore(%arg24 : memref<!tpu.dma_semaphore, #tpu.memory_space<semaphore_mem>>) src(%arg12 : memref<128x64xf32, #tpu.memory_space<vmem>>) dst(%dma_wait3A_508 : memref<128x64xf32, #tpu.memory_space<hbm>>)
      %dma_wait3A_509 = arith.constant 64 : i32
      %dma_wait3A_510 = tpu.memref_slice %arg6[%mul3A_2, %sub3A_502, %dma_wait3A_509] : memref<4096x200x128xf32, #tpu.memory_space<hbm>> -> memref<128x1x64xf32, #tpu.memory_space<hbm>>
      %dma_wait3A_511 = tpu.memref_squeeze %dma_wait3A_510 : memref<128x1x64xf32, #tpu.memory_space<hbm>> -> memref<128x64xf32, #tpu.memory_space<hbm>>
      %dma_wait3A_512 = arith.constant 64 : i32
      %dma_wait3A_513 = tpu.memref_slice %arg6[%mul3A_2, %sub3A_502, %dma_wait3A_512] : memref<4096x200x128xf32, #tpu.memory_space<hbm>> -> memref<128x1x64xf32, #tpu.memory_space<hbm>>
      %dma_wait3A_514 = tpu.memref_squeeze %dma_wait3A_513 : memref<128x1x64xf32, #tpu.memory_space<hbm>> -> memref<128x64xf32, #tpu.memory_space<hbm>>
      tpu.wait_dma2 semaphore(%arg24 : memref<!tpu.dma_semaphore, #tpu.memory_space<semaphore_mem>>) src(%arg16 : memref<128x64xf32, #tpu.memory_space<vmem>>) dst(%dma_wait3A_514 : memref<128x64xf32, #tpu.memory_space<hbm>>)
      %add3A_515 = arith.constant 2 : i32
      %add3A_516 = arith.addi %add3A_498, %add3A_515 : i32
      %jit3A_517 = arith.constant 8 : i32
      %div3A_518 = arith.divsi %add3A_516, %jit3A_517 : i32
      %sign3A_519 = arith.constant 0 : i32
      %sign3A_520 = arith.cmpi sgt, %add3A_516, %sign3A_519 : i32
      %sign3A_521 = arith.extui %sign3A_520 : i1 to i32
      %sign3A_522 = arith.constant 0 : i32
      %sign3A_523 = arith.cmpi slt, %add3A_516, %sign3A_522 : i32
      %sign3A_524 = arith.extui %sign3A_523 : i1 to i32
      %sign3A_525 = arith.subi %sign3A_521, %sign3A_524 : i32
      %sign3A_526 = arith.constant 0 : i32
      %sign3A_527 = arith.cmpi sgt, %jit3A_517, %sign3A_526 : i32
      %sign3A_528 = arith.extui %sign3A_527 : i1 to i32
      %sign3A_529 = arith.constant 0 : i32
      %sign3A_530 = arith.cmpi slt, %jit3A_517, %sign3A_529 : i32
      %sign3A_531 = arith.extui %sign3A_530 : i1 to i32
      %sign3A_532 = arith.subi %sign3A_528, %sign3A_531 : i32
      %ne3A_533 = arith.cmpi ne, %sign3A_525, %sign3A_532 : i32
      %rem3A_534 = arith.remsi %add3A_516, %jit3A_517 : i32
      %ne3A_535 = arith.constant 0 : i32
      %ne3A_536 = arith.cmpi ne, %rem3A_534, %ne3A_535 : i32
      %and3A_537 = arith.andi %ne3A_533, %ne3A_536 : i1
      %sub3A_538 = arith.constant 1 : i32
      %sub3A_539 = arith.subi %div3A_518, %sub3A_538 : i32
      %select_n3A_540 = arith.select %and3A_537, %sub3A_539, %div3A_518 : i32
      %jit3A_541 = arith.constant 8 : i32
      %eq3A_542 = arith.constant 0 : i32
      %eq3A_543 = arith.cmpi eq, %jit3A_541, %eq3A_542 : i32
      %jit3A_544 = arith.constant 1 : i32
      %select_n3A_545 = arith.select %eq3A_543, %jit3A_544, %jit3A_541 : i32
      %rem3A_546 = arith.remsi %add3A_516, %select_n3A_545 : i32
      %ne3A_547 = arith.constant 0 : i32
      %ne3A_548 = arith.cmpi ne, %rem3A_546, %ne3A_547 : i32
      %lt3A_549 = arith.constant 0 : i32
      %lt3A_550 = arith.cmpi slt, %rem3A_546, %lt3A_549 : i32
      %lt3A_551 = arith.constant 0 : i32
      %lt3A_552 = arith.cmpi slt, %select_n3A_545, %lt3A_551 : i32
      %ne3A_553 = arith.xori %lt3A_550, %lt3A_552 : i1
      %and3A_554 = arith.andi %ne3A_553, %ne3A_548 : i1
      %add3A_555 = arith.addi %rem3A_546, %select_n3A_545 : i32
      %select_n3A_556 = arith.select %and3A_554, %add3A_555, %rem3A_546 : i32
      %dma_start3A_557 = arith.constant 0 : i32
      %dma_start3A_558 = tpu.memref_slice %arg7[%select_n3A_540, %select_n3A_556, %dma_start3A_557] : memref<25x8x128xi32, #tpu.memory_space<vmem>> -> memref<1x1x128xi32, #tpu.memory_space<vmem>>
      %dma_start3A_559 = tpu.memref_squeeze %dma_start3A_558 : memref<1x1x128xi32, #tpu.memory_space<vmem>> -> memref<128xi32, #tpu.memory_space<vmem>>
      %dma_start3A_560 = arith.constant 0 : i32
      %dma_start3A_561 = arith.constant 0 : i32
      %dma_start3A_562 = tpu.memref_slice %arg4[%dma_start3A_560, %dma_start3A_561] : memref<1000000x64xf32, #tpu.memory_space<hbm>> -> memref<1000000x64xf32, #tpu.memory_space<hbm>>
      tpu.enqueue_indirect_dma source(%dma_start3A_562 : memref<1000000x64xf32, #tpu.memory_space<hbm>>) target(%arg12 : memref<128x64xf32, #tpu.memory_space<vmem>>) offsets(%dma_start3A_559 : memref<128xi32, #tpu.memory_space<vmem>>) semaphore(%arg20 : memref<!tpu.dma_semaphore, #tpu.memory_space<semaphore_mem>>)
      %jit3A_563 = arith.constant 8 : i32
      %div3A_564 = arith.divsi %add3A_498, %jit3A_563 : i32
      %sign3A_565 = arith.constant 0 : i32
      %sign3A_566 = arith.cmpi sgt, %add3A_498, %sign3A_565 : i32
      %sign3A_567 = arith.extui %sign3A_566 : i1 to i32
      %sign3A_568 = arith.constant 0 : i32
      %sign3A_569 = arith.cmpi slt, %add3A_498, %sign3A_568 : i32
      %sign3A_570 = arith.extui %sign3A_569 : i1 to i32
      %sign3A_571 = arith.subi %sign3A_567, %sign3A_570 : i32
      %sign3A_572 = arith.constant 0 : i32
      %sign3A_573 = arith.cmpi sgt, %jit3A_563, %sign3A_572 : i32
      %sign3A_574 = arith.extui %sign3A_573 : i1 to i32
      %sign3A_575 = arith.constant 0 : i32
      %sign3A_576 = arith.cmpi slt, %jit3A_563, %sign3A_575 : i32
      %sign3A_577 = arith.extui %sign3A_576 : i1 to i32
      %sign3A_578 = arith.subi %sign3A_574, %sign3A_577 : i32
      %ne3A_579 = arith.cmpi ne, %sign3A_571, %sign3A_578 : i32
      %rem3A_580 = arith.remsi %add3A_498, %jit3A_563 : i32
      %ne3A_581 = arith.constant 0 : i32
      %ne3A_582 = arith.cmpi ne, %rem3A_580, %ne3A_581 : i32
      %and3A_583 = arith.andi %ne3A_579, %ne3A_582 : i1
      %sub3A_584 = arith.constant 1 : i32
      %sub3A_585 = arith.subi %div3A_564, %sub3A_584 : i32
      %select_n3A_586 = arith.select %and3A_583, %sub3A_585, %div3A_564 : i32
      %jit3A_587 = arith.constant 8 : i32
      %eq3A_588 = arith.constant 0 : i32
      %eq3A_589 = arith.cmpi eq, %jit3A_587, %eq3A_588 : i32
      %jit3A_590 = arith.constant 1 : i32
      %select_n3A_591 = arith.select %eq3A_589, %jit3A_590, %jit3A_587 : i32
      %rem3A_592 = arith.remsi %add3A_498, %select_n3A_591 : i32
      %ne3A_593 = arith.constant 0 : i32
      %ne3A_594 = arith.cmpi ne, %rem3A_592, %ne3A_593 : i32
      %lt3A_595 = arith.constant 0 : i32
      %lt3A_596 = arith.cmpi slt, %rem3A_592, %lt3A_595 : i32
      %lt3A_597 = arith.constant 0 : i32
      %lt3A_598 = arith.cmpi slt, %select_n3A_591, %lt3A_597 : i32
      %ne3A_599 = arith.xori %lt3A_596, %lt3A_598 : i1
      %and3A_600 = arith.andi %ne3A_599, %ne3A_594 : i1
      %add3A_601 = arith.addi %rem3A_592, %select_n3A_591 : i32
      %select_n3A_602 = arith.select %and3A_600, %add3A_601, %rem3A_592 : i32
      "tpu.region"() ({
        %run_scoped3A_875 = tpu.sem_alloc : memref<!tpu.dma_semaphore, #tpu.memory_space<semaphore_mem>>
        %dma_start3A_876 = arith.constant 0 : i32
        %dma_start3A_877 = tpu.memref_slice %arg8[%select_n3A_586, %select_n3A_602, %dma_start3A_876] : memref<25x8x128xi32, #tpu.memory_space<vmem>> -> memref<1x1x128xi32, #tpu.memory_space<vmem>>
        %dma_start3A_878 = tpu.memref_squeeze %dma_start3A_877 : memref<1x1x128xi32, #tpu.memory_space<vmem>> -> memref<128xi32, #tpu.memory_space<vmem>>
        %dma_start3A_879 = arith.constant 0 : i32
        %dma_start3A_880 = arith.constant 0 : i32
        %dma_start3A_881 = tpu.memref_slice %arg25[%dma_start3A_879, %dma_start3A_880] : memref<2048x64xf32, #tpu.memory_space<vmem_shared>> -> memref<2048x64xf32, #tpu.memory_space<vmem_shared>>
        tpu.enqueue_indirect_dma source(%dma_start3A_881 : memref<2048x64xf32, #tpu.memory_space<vmem_shared>>) target(%arg14 : memref<128x64xf32, #tpu.memory_space<vmem>>) offsets(%dma_start3A_878 : memref<128xi32, #tpu.memory_space<vmem>>) semaphore(%run_scoped3A_875 : memref<!tpu.dma_semaphore, #tpu.memory_space<semaphore_mem>>)
        %dma_wait3A_882 = arith.constant 0 : i32
        %dma_wait3A_883 = tpu.memref_slice %arg8[%select_n3A_586, %select_n3A_602, %dma_wait3A_882] : memref<25x8x128xi32, #tpu.memory_space<vmem>> -> memref<1x1x128xi32, #tpu.memory_space<vmem>>
        %dma_wait3A_884 = tpu.memref_squeeze %dma_wait3A_883 : memref<1x1x128xi32, #tpu.memory_space<vmem>> -> memref<128xi32, #tpu.memory_space<vmem>>
        %dma_wait3A_885 = arith.constant 0 : i32
        %dma_wait3A_886 = arith.constant 0 : i32
        %dma_wait3A_887 = tpu.memref_slice %arg25[%dma_wait3A_885, %dma_wait3A_886] : memref<2048x64xf32, #tpu.memory_space<vmem_shared>> -> memref<2048x64xf32, #tpu.memory_space<vmem_shared>>
        tpu.wait_indirect_dma semaphore(%run_scoped3A_875 : memref<!tpu.dma_semaphore, #tpu.memory_space<semaphore_mem>>) src(%dma_wait3A_887 : memref<2048x64xf32, #tpu.memory_space<vmem_shared>>) dst(%arg14 : memref<128x64xf32, #tpu.memory_space<vmem>>)
        tpu.yield
      }) : () -> ()
      %dma_wait3A_603 = arith.constant 0 : i32
      %dma_wait3A_604 = arith.constant 0 : i32
      %dma_wait3A_605 = arith.constant 0 : i32
      %dma_wait3A_606 = tpu.memref_slice %arg7[%dma_wait3A_603, %dma_wait3A_604, %dma_wait3A_605] : memref<25x8x128xi32, #tpu.memory_space<vmem>> -> memref<1x1x128xi32, #tpu.memory_space<vmem>>
      %dma_wait3A_607 = tpu.memref_squeeze %dma_wait3A_606 : memref<1x1x128xi32, #tpu.memory_space<vmem>> -> memref<128xi32, #tpu.memory_space<vmem>>
      %dma_wait3A_608 = arith.constant 0 : i32
      %dma_wait3A_609 = arith.constant 0 : i32
      %dma_wait3A_610 = tpu.memref_slice %arg4[%dma_wait3A_608, %dma_wait3A_609] : memref<1000000x64xf32, #tpu.memory_space<hbm>> -> memref<1000000x64xf32, #tpu.memory_space<hbm>>
      tpu.wait_indirect_dma semaphore(%arg18 : memref<!tpu.dma_semaphore, #tpu.memory_space<semaphore_mem>>) src(%dma_wait3A_610 : memref<1000000x64xf32, #tpu.memory_space<hbm>>) dst(%arg10 : memref<128x64xf32, #tpu.memory_space<vmem>>)
      %dma_start3A_611 = arith.constant 0 : i32
      %dma_start3A_612 = tpu.memref_slice %arg6[%mul3A_2, %add3A_498, %dma_start3A_611] : memref<4096x200x128xf32, #tpu.memory_space<hbm>> -> memref<128x1x64xf32, #tpu.memory_space<hbm>>
      %dma_start3A_613 = tpu.memref_squeeze %dma_start3A_612 : memref<128x1x64xf32, #tpu.memory_space<hbm>> -> memref<128x64xf32, #tpu.memory_space<hbm>>
      %dma_start3A_614 = arith.constant 0 : i32
      %dma_start3A_615 = tpu.memref_slice %arg6[%mul3A_2, %add3A_498, %dma_start3A_614] : memref<4096x200x128xf32, #tpu.memory_space<hbm>> -> memref<128x1x64xf32, #tpu.memory_space<hbm>>
      %dma_start3A_616 = tpu.memref_squeeze %dma_start3A_615 : memref<128x1x64xf32, #tpu.memory_space<hbm>> -> memref<128x64xf32, #tpu.memory_space<hbm>>
      tpu.enqueue_dma source(%arg10 : memref<128x64xf32, #tpu.memory_space<vmem>>) target(%dma_start3A_616 : memref<128x64xf32, #tpu.memory_space<hbm>>) target_semaphore(%arg22 : memref<!tpu.dma_semaphore, #tpu.memory_space<semaphore_mem>>)
      %dma_start3A_617 = arith.constant 64 : i32
      %dma_start3A_618 = tpu.memref_slice %arg6[%mul3A_2, %add3A_498, %dma_start3A_617] : memref<4096x200x128xf32, #tpu.memory_space<hbm>> -> memref<128x1x64xf32, #tpu.memory_space<hbm>>
      %dma_start3A_619 = tpu.memref_squeeze %dma_start3A_618 : memref<128x1x64xf32, #tpu.memory_space<hbm>> -> memref<128x64xf32, #tpu.memory_space<hbm>>
      %dma_start3A_620 = arith.constant 64 : i32
      %dma_start3A_621 = tpu.memref_slice %arg6[%mul3A_2, %add3A_498, %dma_start3A_620] : memref<4096x200x128xf32, #tpu.memory_space<hbm>> -> memref<128x1x64xf32, #tpu.memory_space<hbm>>
      %dma_start3A_622 = tpu.memref_squeeze %dma_start3A_621 : memref<128x1x64xf32, #tpu.memory_space<hbm>> -> memref<128x64xf32, #tpu.memory_space<hbm>>
      tpu.enqueue_dma source(%arg14 : memref<128x64xf32, #tpu.memory_space<vmem>>) target(%dma_start3A_622 : memref<128x64xf32, #tpu.memory_space<hbm>>) target_semaphore(%arg22 : memref<!tpu.dma_semaphore, #tpu.memory_space<semaphore_mem>>)
      %add3A_623 = arith.constant 2 : i32
      %add3A_624 = arith.addi %add3A_380, %add3A_623 : i32
      %add3A_625 = arith.constant 2 : i32
      %add3A_626 = arith.addi %add3A_624, %add3A_625 : i32
      %sub3A_627 = arith.constant 4 : i32
      %sub3A_628 = arith.subi %add3A_626, %sub3A_627 : i32
      %dma_wait3A_629 = arith.constant 0 : i32
      %dma_wait3A_630 = tpu.memref_slice %arg6[%mul3A_2, %sub3A_628, %dma_wait3A_629] : memref<4096x200x128xf32, #tpu.memory_space<hbm>> -> memref<128x1x64xf32, #tpu.memory_space<hbm>>
      %dma_wait3A_631 = tpu.memref_squeeze %dma_wait3A_630 : memref<128x1x64xf32, #tpu.memory_space<hbm>> -> memref<128x64xf32, #tpu.memory_space<hbm>>
      %dma_wait3A_632 = arith.constant 0 : i32
      %dma_wait3A_633 = tpu.memref_slice %arg6[%mul3A_2, %sub3A_628, %dma_wait3A_632] : memref<4096x200x128xf32, #tpu.memory_space<hbm>> -> memref<128x1x64xf32, #tpu.memory_space<hbm>>
      %dma_wait3A_634 = tpu.memref_squeeze %dma_wait3A_633 : memref<128x1x64xf32, #tpu.memory_space<hbm>> -> memref<128x64xf32, #tpu.memory_space<hbm>>
      tpu.wait_dma2 semaphore(%arg21 : memref<!tpu.dma_semaphore, #tpu.memory_space<semaphore_mem>>) src(%arg9 : memref<128x64xf32, #tpu.memory_space<vmem>>) dst(%dma_wait3A_634 : memref<128x64xf32, #tpu.memory_space<hbm>>)
      %dma_wait3A_635 = arith.constant 64 : i32
      %dma_wait3A_636 = tpu.memref_slice %arg6[%mul3A_2, %sub3A_628, %dma_wait3A_635] : memref<4096x200x128xf32, #tpu.memory_space<hbm>> -> memref<128x1x64xf32, #tpu.memory_space<hbm>>
      %dma_wait3A_637 = tpu.memref_squeeze %dma_wait3A_636 : memref<128x1x64xf32, #tpu.memory_space<hbm>> -> memref<128x64xf32, #tpu.memory_space<hbm>>
      %dma_wait3A_638 = arith.constant 64 : i32
      %dma_wait3A_639 = tpu.memref_slice %arg6[%mul3A_2, %sub3A_628, %dma_wait3A_638] : memref<4096x200x128xf32, #tpu.memory_space<hbm>> -> memref<128x1x64xf32, #tpu.memory_space<hbm>>
      %dma_wait3A_640 = tpu.memref_squeeze %dma_wait3A_639 : memref<128x1x64xf32, #tpu.memory_space<hbm>> -> memref<128x64xf32, #tpu.memory_space<hbm>>
      tpu.wait_dma2 semaphore(%arg21 : memref<!tpu.dma_semaphore, #tpu.memory_space<semaphore_mem>>) src(%arg13 : memref<128x64xf32, #tpu.memory_space<vmem>>) dst(%dma_wait3A_640 : memref<128x64xf32, #tpu.memory_space<hbm>>)
      %add3A_641 = arith.constant 2 : i32
      %add3A_642 = arith.addi %add3A_624, %add3A_641 : i32
      %jit3A_643 = arith.constant 8 : i32
      %div3A_644 = arith.divsi %add3A_642, %jit3A_643 : i32
      %sign3A_645 = arith.constant 0 : i32
      %sign3A_646 = arith.cmpi sgt, %add3A_642, %sign3A_645 : i32
      %sign3A_647 = arith.extui %sign3A_646 : i1 to i32
      %sign3A_648 = arith.constant 0 : i32
      %sign3A_649 = arith.cmpi slt, %add3A_642, %sign3A_648 : i32
      %sign3A_650 = arith.extui %sign3A_649 : i1 to i32
      %sign3A_651 = arith.subi %sign3A_647, %sign3A_650 : i32
      %sign3A_652 = arith.constant 0 : i32
      %sign3A_653 = arith.cmpi sgt, %jit3A_643, %sign3A_652 : i32
      %sign3A_654 = arith.extui %sign3A_653 : i1 to i32
      %sign3A_655 = arith.constant 0 : i32
      %sign3A_656 = arith.cmpi slt, %jit3A_643, %sign3A_655 : i32
      %sign3A_657 = arith.extui %sign3A_656 : i1 to i32
      %sign3A_658 = arith.subi %sign3A_654, %sign3A_657 : i32
      %ne3A_659 = arith.cmpi ne, %sign3A_651, %sign3A_658 : i32
      %rem3A_660 = arith.remsi %add3A_642, %jit3A_643 : i32
      %ne3A_661 = arith.constant 0 : i32
      %ne3A_662 = arith.cmpi ne, %rem3A_660, %ne3A_661 : i32
      %and3A_663 = arith.andi %ne3A_659, %ne3A_662 : i1
      %sub3A_664 = arith.constant 1 : i32
      %sub3A_665 = arith.subi %div3A_644, %sub3A_664 : i32
      %select_n3A_666 = arith.select %and3A_663, %sub3A_665, %div3A_644 : i32
      %jit3A_667 = arith.constant 8 : i32
      %eq3A_668 = arith.constant 0 : i32
      %eq3A_669 = arith.cmpi eq, %jit3A_667, %eq3A_668 : i32
      %jit3A_670 = arith.constant 1 : i32
      %select_n3A_671 = arith.select %eq3A_669, %jit3A_670, %jit3A_667 : i32
      %rem3A_672 = arith.remsi %add3A_642, %select_n3A_671 : i32
      %ne3A_673 = arith.constant 0 : i32
      %ne3A_674 = arith.cmpi ne, %rem3A_672, %ne3A_673 : i32
      %lt3A_675 = arith.constant 0 : i32
      %lt3A_676 = arith.cmpi slt, %rem3A_672, %lt3A_675 : i32
      %lt3A_677 = arith.constant 0 : i32
      %lt3A_678 = arith.cmpi slt, %select_n3A_671, %lt3A_677 : i32
      %ne3A_679 = arith.xori %lt3A_676, %lt3A_678 : i1
      %and3A_680 = arith.andi %ne3A_679, %ne3A_674 : i1
      %add3A_681 = arith.addi %rem3A_672, %select_n3A_671 : i32
      %select_n3A_682 = arith.select %and3A_680, %add3A_681, %rem3A_672 : i32
      %dma_start3A_683 = arith.constant 0 : i32
      %dma_start3A_684 = tpu.memref_slice %arg7[%select_n3A_666, %select_n3A_682, %dma_start3A_683] : memref<25x8x128xi32, #tpu.memory_space<vmem>> -> memref<1x1x128xi32, #tpu.memory_space<vmem>>
      %dma_start3A_685 = tpu.memref_squeeze %dma_start3A_684 : memref<1x1x128xi32, #tpu.memory_space<vmem>> -> memref<128xi32, #tpu.memory_space<vmem>>
      %dma_start3A_686 = arith.constant 0 : i32
      %dma_start3A_687 = arith.constant 0 : i32
      %dma_start3A_688 = tpu.memref_slice %arg4[%dma_start3A_686, %dma_start3A_687] : memref<1000000x64xf32, #tpu.memory_space<hbm>> -> memref<1000000x64xf32, #tpu.memory_space<hbm>>
      tpu.enqueue_indirect_dma source(%dma_start3A_688 : memref<1000000x64xf32, #tpu.memory_space<hbm>>) target(%arg9 : memref<128x64xf32, #tpu.memory_space<vmem>>) offsets(%dma_start3A_685 : memref<128xi32, #tpu.memory_space<vmem>>) semaphore(%arg17 : memref<!tpu.dma_semaphore, #tpu.memory_space<semaphore_mem>>)
      %jit3A_689 = arith.constant 8 : i32
      %div3A_690 = arith.divsi %add3A_624, %jit3A_689 : i32
      %sign3A_691 = arith.constant 0 : i32
      %sign3A_692 = arith.cmpi sgt, %add3A_624, %sign3A_691 : i32
      %sign3A_693 = arith.extui %sign3A_692 : i1 to i32
      %sign3A_694 = arith.constant 0 : i32
      %sign3A_695 = arith.cmpi slt, %add3A_624, %sign3A_694 : i32
      %sign3A_696 = arith.extui %sign3A_695 : i1 to i32
      %sign3A_697 = arith.subi %sign3A_693, %sign3A_696 : i32
      %sign3A_698 = arith.constant 0 : i32
      %sign3A_699 = arith.cmpi sgt, %jit3A_689, %sign3A_698 : i32
      %sign3A_700 = arith.extui %sign3A_699 : i1 to i32
      %sign3A_701 = arith.constant 0 : i32
      %sign3A_702 = arith.cmpi slt, %jit3A_689, %sign3A_701 : i32
      %sign3A_703 = arith.extui %sign3A_702 : i1 to i32
      %sign3A_704 = arith.subi %sign3A_700, %sign3A_703 : i32
      %ne3A_705 = arith.cmpi ne, %sign3A_697, %sign3A_704 : i32
      %rem3A_706 = arith.remsi %add3A_624, %jit3A_689 : i32
      %ne3A_707 = arith.constant 0 : i32
      %ne3A_708 = arith.cmpi ne, %rem3A_706, %ne3A_707 : i32
      %and3A_709 = arith.andi %ne3A_705, %ne3A_708 : i1
      %sub3A_710 = arith.constant 1 : i32
      %sub3A_711 = arith.subi %div3A_690, %sub3A_710 : i32
      %select_n3A_712 = arith.select %and3A_709, %sub3A_711, %div3A_690 : i32
      %jit3A_713 = arith.constant 8 : i32
      %eq3A_714 = arith.constant 0 : i32
      %eq3A_715 = arith.cmpi eq, %jit3A_713, %eq3A_714 : i32
      %jit3A_716 = arith.constant 1 : i32
      %select_n3A_717 = arith.select %eq3A_715, %jit3A_716, %jit3A_713 : i32
      %rem3A_718 = arith.remsi %add3A_624, %select_n3A_717 : i32
      %ne3A_719 = arith.constant 0 : i32
      %ne3A_720 = arith.cmpi ne, %rem3A_718, %ne3A_719 : i32
      %lt3A_721 = arith.constant 0 : i32
      %lt3A_722 = arith.cmpi slt, %rem3A_718, %lt3A_721 : i32
      %lt3A_723 = arith.constant 0 : i32
      %lt3A_724 = arith.cmpi slt, %select_n3A_717, %lt3A_723 : i32
      %ne3A_725 = arith.xori %lt3A_722, %lt3A_724 : i1
      %and3A_726 = arith.andi %ne3A_725, %ne3A_720 : i1
      %add3A_727 = arith.addi %rem3A_718, %select_n3A_717 : i32
      %select_n3A_728 = arith.select %and3A_726, %add3A_727, %rem3A_718 : i32
      "tpu.region"() ({
        %run_scoped3A_875 = tpu.sem_alloc : memref<!tpu.dma_semaphore, #tpu.memory_space<semaphore_mem>>
        %dma_start3A_876 = arith.constant 0 : i32
        %dma_start3A_877 = tpu.memref_slice %arg8[%select_n3A_712, %select_n3A_728, %dma_start3A_876] : memref<25x8x128xi32, #tpu.memory_space<vmem>> -> memref<1x1x128xi32, #tpu.memory_space<vmem>>
        %dma_start3A_878 = tpu.memref_squeeze %dma_start3A_877 : memref<1x1x128xi32, #tpu.memory_space<vmem>> -> memref<128xi32, #tpu.memory_space<vmem>>
        %dma_start3A_879 = arith.constant 0 : i32
        %dma_start3A_880 = arith.constant 0 : i32
        %dma_start3A_881 = tpu.memref_slice %arg25[%dma_start3A_879, %dma_start3A_880] : memref<2048x64xf32, #tpu.memory_space<vmem_shared>> -> memref<2048x64xf32, #tpu.memory_space<vmem_shared>>
        tpu.enqueue_indirect_dma source(%dma_start3A_881 : memref<2048x64xf32, #tpu.memory_space<vmem_shared>>) target(%arg15 : memref<128x64xf32, #tpu.memory_space<vmem>>) offsets(%dma_start3A_878 : memref<128xi32, #tpu.memory_space<vmem>>) semaphore(%run_scoped3A_875 : memref<!tpu.dma_semaphore, #tpu.memory_space<semaphore_mem>>)
        %dma_wait3A_882 = arith.constant 0 : i32
        %dma_wait3A_883 = tpu.memref_slice %arg8[%select_n3A_712, %select_n3A_728, %dma_wait3A_882] : memref<25x8x128xi32, #tpu.memory_space<vmem>> -> memref<1x1x128xi32, #tpu.memory_space<vmem>>
        %dma_wait3A_884 = tpu.memref_squeeze %dma_wait3A_883 : memref<1x1x128xi32, #tpu.memory_space<vmem>> -> memref<128xi32, #tpu.memory_space<vmem>>
        %dma_wait3A_885 = arith.constant 0 : i32
        %dma_wait3A_886 = arith.constant 0 : i32
        %dma_wait3A_887 = tpu.memref_slice %arg25[%dma_wait3A_885, %dma_wait3A_886] : memref<2048x64xf32, #tpu.memory_space<vmem_shared>> -> memref<2048x64xf32, #tpu.memory_space<vmem_shared>>
        tpu.wait_indirect_dma semaphore(%run_scoped3A_875 : memref<!tpu.dma_semaphore, #tpu.memory_space<semaphore_mem>>) src(%dma_wait3A_887 : memref<2048x64xf32, #tpu.memory_space<vmem_shared>>) dst(%arg15 : memref<128x64xf32, #tpu.memory_space<vmem>>)
        tpu.yield
      }) : () -> ()
      %dma_wait3A_729 = arith.constant 0 : i32
      %dma_wait3A_730 = arith.constant 0 : i32
      %dma_wait3A_731 = arith.constant 0 : i32
      %dma_wait3A_732 = tpu.memref_slice %arg7[%dma_wait3A_729, %dma_wait3A_730, %dma_wait3A_731] : memref<25x8x128xi32, #tpu.memory_space<vmem>> -> memref<1x1x128xi32, #tpu.memory_space<vmem>>
      %dma_wait3A_733 = tpu.memref_squeeze %dma_wait3A_732 : memref<1x1x128xi32, #tpu.memory_space<vmem>> -> memref<128xi32, #tpu.memory_space<vmem>>
      %dma_wait3A_734 = arith.constant 0 : i32
      %dma_wait3A_735 = arith.constant 0 : i32
      %dma_wait3A_736 = tpu.memref_slice %arg4[%dma_wait3A_734, %dma_wait3A_735] : memref<1000000x64xf32, #tpu.memory_space<hbm>> -> memref<1000000x64xf32, #tpu.memory_space<hbm>>
      tpu.wait_indirect_dma semaphore(%arg19 : memref<!tpu.dma_semaphore, #tpu.memory_space<semaphore_mem>>) src(%dma_wait3A_736 : memref<1000000x64xf32, #tpu.memory_space<hbm>>) dst(%arg11 : memref<128x64xf32, #tpu.memory_space<vmem>>)
      %dma_start3A_737 = arith.constant 0 : i32
      %dma_start3A_738 = tpu.memref_slice %arg6[%mul3A_2, %add3A_624, %dma_start3A_737] : memref<4096x200x128xf32, #tpu.memory_space<hbm>> -> memref<128x1x64xf32, #tpu.memory_space<hbm>>
      %dma_start3A_739 = tpu.memref_squeeze %dma_start3A_738 : memref<128x1x64xf32, #tpu.memory_space<hbm>> -> memref<128x64xf32, #tpu.memory_space<hbm>>
      %dma_start3A_740 = arith.constant 0 : i32
      %dma_start3A_741 = tpu.memref_slice %arg6[%mul3A_2, %add3A_624, %dma_start3A_740] : memref<4096x200x128xf32, #tpu.memory_space<hbm>> -> memref<128x1x64xf32, #tpu.memory_space<hbm>>
      %dma_start3A_742 = tpu.memref_squeeze %dma_start3A_741 : memref<128x1x64xf32, #tpu.memory_space<hbm>> -> memref<128x64xf32, #tpu.memory_space<hbm>>
      tpu.enqueue_dma source(%arg11 : memref<128x64xf32, #tpu.memory_space<vmem>>) target(%dma_start3A_742 : memref<128x64xf32, #tpu.memory_space<hbm>>) target_semaphore(%arg23 : memref<!tpu.dma_semaphore, #tpu.memory_space<semaphore_mem>>)
      %dma_start3A_743 = arith.constant 64 : i32
      %dma_start3A_744 = tpu.memref_slice %arg6[%mul3A_2, %add3A_624, %dma_start3A_743] : memref<4096x200x128xf32, #tpu.memory_space<hbm>> -> memref<128x1x64xf32, #tpu.memory_space<hbm>>
      %dma_start3A_745 = tpu.memref_squeeze %dma_start3A_744 : memref<128x1x64xf32, #tpu.memory_space<hbm>> -> memref<128x64xf32, #tpu.memory_space<hbm>>
      %dma_start3A_746 = arith.constant 64 : i32
      %dma_start3A_747 = tpu.memref_slice %arg6[%mul3A_2, %add3A_624, %dma_start3A_746] : memref<4096x200x128xf32, #tpu.memory_space<hbm>> -> memref<128x1x64xf32, #tpu.memory_space<hbm>>
      %dma_start3A_748 = tpu.memref_squeeze %dma_start3A_747 : memref<128x1x64xf32, #tpu.memory_space<hbm>> -> memref<128x64xf32, #tpu.memory_space<hbm>>
      tpu.enqueue_dma source(%arg15 : memref<128x64xf32, #tpu.memory_space<vmem>>) target(%dma_start3A_748 : memref<128x64xf32, #tpu.memory_space<hbm>>) target_semaphore(%arg23 : memref<!tpu.dma_semaphore, #tpu.memory_space<semaphore_mem>>)
      %add3A_749 = arith.constant 3 : i32
      %add3A_750 = arith.addi %add3A_380, %add3A_749 : i32
      %add3A_751 = arith.constant 2 : i32
      %add3A_752 = arith.addi %add3A_750, %add3A_751 : i32
      %sub3A_753 = arith.constant 4 : i32
      %sub3A_754 = arith.subi %add3A_752, %sub3A_753 : i32
      %dma_wait3A_755 = arith.constant 0 : i32
      %dma_wait3A_756 = tpu.memref_slice %arg6[%mul3A_2, %sub3A_754, %dma_wait3A_755] : memref<4096x200x128xf32, #tpu.memory_space<hbm>> -> memref<128x1x64xf32, #tpu.memory_space<hbm>>
      %dma_wait3A_757 = tpu.memref_squeeze %dma_wait3A_756 : memref<128x1x64xf32, #tpu.memory_space<hbm>> -> memref<128x64xf32, #tpu.memory_space<hbm>>
      %dma_wait3A_758 = arith.constant 0 : i32
      %dma_wait3A_759 = tpu.memref_slice %arg6[%mul3A_2, %sub3A_754, %dma_wait3A_758] : memref<4096x200x128xf32, #tpu.memory_space<hbm>> -> memref<128x1x64xf32, #tpu.memory_space<hbm>>
      %dma_wait3A_760 = tpu.memref_squeeze %dma_wait3A_759 : memref<128x1x64xf32, #tpu.memory_space<hbm>> -> memref<128x64xf32, #tpu.memory_space<hbm>>
      tpu.wait_dma2 semaphore(%arg22 : memref<!tpu.dma_semaphore, #tpu.memory_space<semaphore_mem>>) src(%arg10 : memref<128x64xf32, #tpu.memory_space<vmem>>) dst(%dma_wait3A_760 : memref<128x64xf32, #tpu.memory_space<hbm>>)
      %dma_wait3A_761 = arith.constant 64 : i32
      %dma_wait3A_762 = tpu.memref_slice %arg6[%mul3A_2, %sub3A_754, %dma_wait3A_761] : memref<4096x200x128xf32, #tpu.memory_space<hbm>> -> memref<128x1x64xf32, #tpu.memory_space<hbm>>
      %dma_wait3A_763 = tpu.memref_squeeze %dma_wait3A_762 : memref<128x1x64xf32, #tpu.memory_space<hbm>> -> memref<128x64xf32, #tpu.memory_space<hbm>>
      %dma_wait3A_764 = arith.constant 64 : i32
      %dma_wait3A_765 = tpu.memref_slice %arg6[%mul3A_2, %sub3A_754, %dma_wait3A_764] : memref<4096x200x128xf32, #tpu.memory_space<hbm>> -> memref<128x1x64xf32, #tpu.memory_space<hbm>>
      %dma_wait3A_766 = tpu.memref_squeeze %dma_wait3A_765 : memref<128x1x64xf32, #tpu.memory_space<hbm>> -> memref<128x64xf32, #tpu.memory_space<hbm>>
      tpu.wait_dma2 semaphore(%arg22 : memref<!tpu.dma_semaphore, #tpu.memory_space<semaphore_mem>>) src(%arg14 : memref<128x64xf32, #tpu.memory_space<vmem>>) dst(%dma_wait3A_766 : memref<128x64xf32, #tpu.memory_space<hbm>>)
      %add3A_767 = arith.constant 2 : i32
      %add3A_768 = arith.addi %add3A_750, %add3A_767 : i32
      %jit3A_769 = arith.constant 8 : i32
      %div3A_770 = arith.divsi %add3A_768, %jit3A_769 : i32
      %sign3A_771 = arith.constant 0 : i32
      %sign3A_772 = arith.cmpi sgt, %add3A_768, %sign3A_771 : i32
      %sign3A_773 = arith.extui %sign3A_772 : i1 to i32
      %sign3A_774 = arith.constant 0 : i32
      %sign3A_775 = arith.cmpi slt, %add3A_768, %sign3A_774 : i32
      %sign3A_776 = arith.extui %sign3A_775 : i1 to i32
      %sign3A_777 = arith.subi %sign3A_773, %sign3A_776 : i32
      %sign3A_778 = arith.constant 0 : i32
      %sign3A_779 = arith.cmpi sgt, %jit3A_769, %sign3A_778 : i32
      %sign3A_780 = arith.extui %sign3A_779 : i1 to i32
      %sign3A_781 = arith.constant 0 : i32
      %sign3A_782 = arith.cmpi slt, %jit3A_769, %sign3A_781 : i32
      %sign3A_783 = arith.extui %sign3A_782 : i1 to i32
      %sign3A_784 = arith.subi %sign3A_780, %sign3A_783 : i32
      %ne3A_785 = arith.cmpi ne, %sign3A_777, %sign3A_784 : i32
      %rem3A_786 = arith.remsi %add3A_768, %jit3A_769 : i32
      %ne3A_787 = arith.constant 0 : i32
      %ne3A_788 = arith.cmpi ne, %rem3A_786, %ne3A_787 : i32
      %and3A_789 = arith.andi %ne3A_785, %ne3A_788 : i1
      %sub3A_790 = arith.constant 1 : i32
      %sub3A_791 = arith.subi %div3A_770, %sub3A_790 : i32
      %select_n3A_792 = arith.select %and3A_789, %sub3A_791, %div3A_770 : i32
      %jit3A_793 = arith.constant 8 : i32
      %eq3A_794 = arith.constant 0 : i32
      %eq3A_795 = arith.cmpi eq, %jit3A_793, %eq3A_794 : i32
      %jit3A_796 = arith.constant 1 : i32
      %select_n3A_797 = arith.select %eq3A_795, %jit3A_796, %jit3A_793 : i32
      %rem3A_798 = arith.remsi %add3A_768, %select_n3A_797 : i32
      %ne3A_799 = arith.constant 0 : i32
      %ne3A_800 = arith.cmpi ne, %rem3A_798, %ne3A_799 : i32
      %lt3A_801 = arith.constant 0 : i32
      %lt3A_802 = arith.cmpi slt, %rem3A_798, %lt3A_801 : i32
      %lt3A_803 = arith.constant 0 : i32
      %lt3A_804 = arith.cmpi slt, %select_n3A_797, %lt3A_803 : i32
      %ne3A_805 = arith.xori %lt3A_802, %lt3A_804 : i1
      %and3A_806 = arith.andi %ne3A_805, %ne3A_800 : i1
      %add3A_807 = arith.addi %rem3A_798, %select_n3A_797 : i32
      %select_n3A_808 = arith.select %and3A_806, %add3A_807, %rem3A_798 : i32
      %dma_start3A_809 = arith.constant 0 : i32
      %dma_start3A_810 = tpu.memref_slice %arg7[%select_n3A_792, %select_n3A_808, %dma_start3A_809] : memref<25x8x128xi32, #tpu.memory_space<vmem>> -> memref<1x1x128xi32, #tpu.memory_space<vmem>>
      %dma_start3A_811 = tpu.memref_squeeze %dma_start3A_810 : memref<1x1x128xi32, #tpu.memory_space<vmem>> -> memref<128xi32, #tpu.memory_space<vmem>>
      %dma_start3A_812 = arith.constant 0 : i32
      %dma_start3A_813 = arith.constant 0 : i32
      %dma_start3A_814 = tpu.memref_slice %arg4[%dma_start3A_812, %dma_start3A_813] : memref<1000000x64xf32, #tpu.memory_space<hbm>> -> memref<1000000x64xf32, #tpu.memory_space<hbm>>
      tpu.enqueue_indirect_dma source(%dma_start3A_814 : memref<1000000x64xf32, #tpu.memory_space<hbm>>) target(%arg10 : memref<128x64xf32, #tpu.memory_space<vmem>>) offsets(%dma_start3A_811 : memref<128xi32, #tpu.memory_space<vmem>>) semaphore(%arg18 : memref<!tpu.dma_semaphore, #tpu.memory_space<semaphore_mem>>)
      %jit3A_815 = arith.constant 8 : i32
      %div3A_816 = arith.divsi %add3A_750, %jit3A_815 : i32
      %sign3A_817 = arith.constant 0 : i32
      %sign3A_818 = arith.cmpi sgt, %add3A_750, %sign3A_817 : i32
      %sign3A_819 = arith.extui %sign3A_818 : i1 to i32
      %sign3A_820 = arith.constant 0 : i32
      %sign3A_821 = arith.cmpi slt, %add3A_750, %sign3A_820 : i32
      %sign3A_822 = arith.extui %sign3A_821 : i1 to i32
      %sign3A_823 = arith.subi %sign3A_819, %sign3A_822 : i32
      %sign3A_824 = arith.constant 0 : i32
      %sign3A_825 = arith.cmpi sgt, %jit3A_815, %sign3A_824 : i32
      %sign3A_826 = arith.extui %sign3A_825 : i1 to i32
      %sign3A_827 = arith.constant 0 : i32
      %sign3A_828 = arith.cmpi slt, %jit3A_815, %sign3A_827 : i32
      %sign3A_829 = arith.extui %sign3A_828 : i1 to i32
      %sign3A_830 = arith.subi %sign3A_826, %sign3A_829 : i32
      %ne3A_831 = arith.cmpi ne, %sign3A_823, %sign3A_830 : i32
      %rem3A_832 = arith.remsi %add3A_750, %jit3A_815 : i32
      %ne3A_833 = arith.constant 0 : i32
      %ne3A_834 = arith.cmpi ne, %rem3A_832, %ne3A_833 : i32
      %and3A_835 = arith.andi %ne3A_831, %ne3A_834 : i1
      %sub3A_836 = arith.constant 1 : i32
      %sub3A_837 = arith.subi %div3A_816, %sub3A_836 : i32
      %select_n3A_838 = arith.select %and3A_835, %sub3A_837, %div3A_816 : i32
      %jit3A_839 = arith.constant 8 : i32
      %eq3A_840 = arith.constant 0 : i32
      %eq3A_841 = arith.cmpi eq, %jit3A_839, %eq3A_840 : i32
      %jit3A_842 = arith.constant 1 : i32
      %select_n3A_843 = arith.select %eq3A_841, %jit3A_842, %jit3A_839 : i32
      %rem3A_844 = arith.remsi %add3A_750, %select_n3A_843 : i32
      %ne3A_845 = arith.constant 0 : i32
      %ne3A_846 = arith.cmpi ne, %rem3A_844, %ne3A_845 : i32
      %lt3A_847 = arith.constant 0 : i32
      %lt3A_848 = arith.cmpi slt, %rem3A_844, %lt3A_847 : i32
      %lt3A_849 = arith.constant 0 : i32
      %lt3A_850 = arith.cmpi slt, %select_n3A_843, %lt3A_849 : i32
      %ne3A_851 = arith.xori %lt3A_848, %lt3A_850 : i1
      %and3A_852 = arith.andi %ne3A_851, %ne3A_846 : i1
      %add3A_853 = arith.addi %rem3A_844, %select_n3A_843 : i32
      %select_n3A_854 = arith.select %and3A_852, %add3A_853, %rem3A_844 : i32
      "tpu.region"() ({
        %run_scoped3A_875 = tpu.sem_alloc : memref<!tpu.dma_semaphore, #tpu.memory_space<semaphore_mem>>
        %dma_start3A_876 = arith.constant 0 : i32
        %dma_start3A_877 = tpu.memref_slice %arg8[%select_n3A_838, %select_n3A_854, %dma_start3A_876] : memref<25x8x128xi32, #tpu.memory_space<vmem>> -> memref<1x1x128xi32, #tpu.memory_space<vmem>>
        %dma_start3A_878 = tpu.memref_squeeze %dma_start3A_877 : memref<1x1x128xi32, #tpu.memory_space<vmem>> -> memref<128xi32, #tpu.memory_space<vmem>>
        %dma_start3A_879 = arith.constant 0 : i32
        %dma_start3A_880 = arith.constant 0 : i32
        %dma_start3A_881 = tpu.memref_slice %arg25[%dma_start3A_879, %dma_start3A_880] : memref<2048x64xf32, #tpu.memory_space<vmem_shared>> -> memref<2048x64xf32, #tpu.memory_space<vmem_shared>>
        tpu.enqueue_indirect_dma source(%dma_start3A_881 : memref<2048x64xf32, #tpu.memory_space<vmem_shared>>) target(%arg16 : memref<128x64xf32, #tpu.memory_space<vmem>>) offsets(%dma_start3A_878 : memref<128xi32, #tpu.memory_space<vmem>>) semaphore(%run_scoped3A_875 : memref<!tpu.dma_semaphore, #tpu.memory_space<semaphore_mem>>)
        %dma_wait3A_882 = arith.constant 0 : i32
        %dma_wait3A_883 = tpu.memref_slice %arg8[%select_n3A_838, %select_n3A_854, %dma_wait3A_882] : memref<25x8x128xi32, #tpu.memory_space<vmem>> -> memref<1x1x128xi32, #tpu.memory_space<vmem>>
        %dma_wait3A_884 = tpu.memref_squeeze %dma_wait3A_883 : memref<1x1x128xi32, #tpu.memory_space<vmem>> -> memref<128xi32, #tpu.memory_space<vmem>>
        %dma_wait3A_885 = arith.constant 0 : i32
        %dma_wait3A_886 = arith.constant 0 : i32
        %dma_wait3A_887 = tpu.memref_slice %arg25[%dma_wait3A_885, %dma_wait3A_886] : memref<2048x64xf32, #tpu.memory_space<vmem_shared>> -> memref<2048x64xf32, #tpu.memory_space<vmem_shared>>
        tpu.wait_indirect_dma semaphore(%run_scoped3A_875 : memref<!tpu.dma_semaphore, #tpu.memory_space<semaphore_mem>>) src(%dma_wait3A_887 : memref<2048x64xf32, #tpu.memory_space<vmem_shared>>) dst(%arg16 : memref<128x64xf32, #tpu.memory_space<vmem>>)
        tpu.yield
      }) : () -> ()
      %dma_wait3A_855 = arith.constant 0 : i32
      %dma_wait3A_856 = arith.constant 0 : i32
      %dma_wait3A_857 = arith.constant 0 : i32
      %dma_wait3A_858 = tpu.memref_slice %arg7[%dma_wait3A_855, %dma_wait3A_856, %dma_wait3A_857] : memref<25x8x128xi32, #tpu.memory_space<vmem>> -> memref<1x1x128xi32, #tpu.memory_space<vmem>>
      %dma_wait3A_859 = tpu.memref_squeeze %dma_wait3A_858 : memref<1x1x128xi32, #tpu.memory_space<vmem>> -> memref<128xi32, #tpu.memory_space<vmem>>
      %dma_wait3A_860 = arith.constant 0 : i32
      %dma_wait3A_861 = arith.constant 0 : i32
      %dma_wait3A_862 = tpu.memref_slice %arg4[%dma_wait3A_860, %dma_wait3A_861] : memref<1000000x64xf32, #tpu.memory_space<hbm>> -> memref<1000000x64xf32, #tpu.memory_space<hbm>>
      tpu.wait_indirect_dma semaphore(%arg20 : memref<!tpu.dma_semaphore, #tpu.memory_space<semaphore_mem>>) src(%dma_wait3A_862 : memref<1000000x64xf32, #tpu.memory_space<hbm>>) dst(%arg12 : memref<128x64xf32, #tpu.memory_space<vmem>>)
      %dma_start3A_863 = arith.constant 0 : i32
      %dma_start3A_864 = tpu.memref_slice %arg6[%mul3A_2, %add3A_750, %dma_start3A_863] : memref<4096x200x128xf32, #tpu.memory_space<hbm>> -> memref<128x1x64xf32, #tpu.memory_space<hbm>>
      %dma_start3A_865 = tpu.memref_squeeze %dma_start3A_864 : memref<128x1x64xf32, #tpu.memory_space<hbm>> -> memref<128x64xf32, #tpu.memory_space<hbm>>
      %dma_start3A_866 = arith.constant 0 : i32
      %dma_start3A_867 = tpu.memref_slice %arg6[%mul3A_2, %add3A_750, %dma_start3A_866] : memref<4096x200x128xf32, #tpu.memory_space<hbm>> -> memref<128x1x64xf32, #tpu.memory_space<hbm>>
      %dma_start3A_868 = tpu.memref_squeeze %dma_start3A_867 : memref<128x1x64xf32, #tpu.memory_space<hbm>> -> memref<128x64xf32, #tpu.memory_space<hbm>>
      tpu.enqueue_dma source(%arg12 : memref<128x64xf32, #tpu.memory_space<vmem>>) target(%dma_start3A_868 : memref<128x64xf32, #tpu.memory_space<hbm>>) target_semaphore(%arg24 : memref<!tpu.dma_semaphore, #tpu.memory_space<semaphore_mem>>)
      %dma_start3A_869 = arith.constant 64 : i32
      %dma_start3A_870 = tpu.memref_slice %arg6[%mul3A_2, %add3A_750, %dma_start3A_869] : memref<4096x200x128xf32, #tpu.memory_space<hbm>> -> memref<128x1x64xf32, #tpu.memory_space<hbm>>
      %dma_start3A_871 = tpu.memref_squeeze %dma_start3A_870 : memref<128x1x64xf32, #tpu.memory_space<hbm>> -> memref<128x64xf32, #tpu.memory_space<hbm>>
      %dma_start3A_872 = arith.constant 64 : i32
      %dma_start3A_873 = tpu.memref_slice %arg6[%mul3A_2, %add3A_750, %dma_start3A_872] : memref<4096x200x128xf32, #tpu.memory_space<hbm>> -> memref<128x1x64xf32, #tpu.memory_space<hbm>>
      %dma_start3A_874 = tpu.memref_squeeze %dma_start3A_873 : memref<128x1x64xf32, #tpu.memory_space<hbm>> -> memref<128x64xf32, #tpu.memory_space<hbm>>
      tpu.enqueue_dma source(%arg16 : memref<128x64xf32, #tpu.memory_space<vmem>>) target(%dma_start3A_874 : memref<128x64xf32, #tpu.memory_space<hbm>>) target_semaphore(%arg24 : memref<!tpu.dma_semaphore, #tpu.memory_space<semaphore_mem>>)
    }
    %scan3A_179 = arith.constant 48 : i32
    %dma_wait3A_180 = arith.constant 194 : i32
    %dma_wait3A_181 = arith.constant 0 : i32
    %dma_wait3A_182 = tpu.memref_slice %arg6[%mul3A_2, %dma_wait3A_180, %dma_wait3A_181] : memref<4096x200x128xf32, #tpu.memory_space<hbm>> -> memref<128x1x64xf32, #tpu.memory_space<hbm>>
    %dma_wait3A_183 = tpu.memref_squeeze %dma_wait3A_182 : memref<128x1x64xf32, #tpu.memory_space<hbm>> -> memref<128x64xf32, #tpu.memory_space<hbm>>
    %dma_wait3A_184 = arith.constant 0 : i32
    %dma_wait3A_185 = tpu.memref_slice %arg6[%mul3A_2, %dma_wait3A_180, %dma_wait3A_184] : memref<4096x200x128xf32, #tpu.memory_space<hbm>> -> memref<128x1x64xf32, #tpu.memory_space<hbm>>
    %dma_wait3A_186 = tpu.memref_squeeze %dma_wait3A_185 : memref<128x1x64xf32, #tpu.memory_space<hbm>> -> memref<128x64xf32, #tpu.memory_space<hbm>>
    tpu.wait_dma2 semaphore(%arg23 : memref<!tpu.dma_semaphore, #tpu.memory_space<semaphore_mem>>) src(%arg11 : memref<128x64xf32, #tpu.memory_space<vmem>>) dst(%dma_wait3A_186 : memref<128x64xf32, #tpu.memory_space<hbm>>)
    %dma_wait3A_187 = arith.constant 194 : i32
    %dma_wait3A_188 = arith.constant 64 : i32
    %dma_wait3A_189 = tpu.memref_slice %arg6[%mul3A_2, %dma_wait3A_187, %dma_wait3A_188] : memref<4096x200x128xf32, #tpu.memory_space<hbm>> -> memref<128x1x64xf32, #tpu.memory_space<hbm>>
    %dma_wait3A_190 = tpu.memref_squeeze %dma_wait3A_189 : memref<128x1x64xf32, #tpu.memory_space<hbm>> -> memref<128x64xf32, #tpu.memory_space<hbm>>
    %dma_wait3A_191 = arith.constant 64 : i32
    %dma_wait3A_192 = tpu.memref_slice %arg6[%mul3A_2, %dma_wait3A_187, %dma_wait3A_191] : memref<4096x200x128xf32, #tpu.memory_space<hbm>> -> memref<128x1x64xf32, #tpu.memory_space<hbm>>
    %dma_wait3A_193 = tpu.memref_squeeze %dma_wait3A_192 : memref<128x1x64xf32, #tpu.memory_space<hbm>> -> memref<128x64xf32, #tpu.memory_space<hbm>>
    tpu.wait_dma2 semaphore(%arg23 : memref<!tpu.dma_semaphore, #tpu.memory_space<semaphore_mem>>) src(%arg15 : memref<128x64xf32, #tpu.memory_space<vmem>>) dst(%dma_wait3A_193 : memref<128x64xf32, #tpu.memory_space<hbm>>)
    %dma_start3A_194 = arith.constant 24 : i32
    %dma_start3A_195 = arith.constant 6 : i32
    %dma_start3A_196 = arith.constant 0 : i32
    %dma_start3A_197 = tpu.memref_slice %arg7[%dma_start3A_194, %dma_start3A_195, %dma_start3A_196] : memref<25x8x128xi32, #tpu.memory_space<vmem>> -> memref<1x1x128xi32, #tpu.memory_space<vmem>>
    %dma_start3A_198 = tpu.memref_squeeze %dma_start3A_197 : memref<1x1x128xi32, #tpu.memory_space<vmem>> -> memref<128xi32, #tpu.memory_space<vmem>>
    %dma_start3A_199 = arith.constant 0 : i32
    %dma_start3A_200 = arith.constant 0 : i32
    %dma_start3A_201 = tpu.memref_slice %arg4[%dma_start3A_199, %dma_start3A_200] : memref<1000000x64xf32, #tpu.memory_space<hbm>> -> memref<1000000x64xf32, #tpu.memory_space<hbm>>
    tpu.enqueue_indirect_dma source(%dma_start3A_201 : memref<1000000x64xf32, #tpu.memory_space<hbm>>) target(%arg11 : memref<128x64xf32, #tpu.memory_space<vmem>>) offsets(%dma_start3A_198 : memref<128xi32, #tpu.memory_space<vmem>>) semaphore(%arg19 : memref<!tpu.dma_semaphore, #tpu.memory_space<semaphore_mem>>)
    %run_scoped3A_202 = arith.constant 24 : i32
    %run_scoped3A_203 = arith.constant 4 : i32
    "tpu.region"() ({
      %run_scoped3A_376 = tpu.sem_alloc : memref<!tpu.dma_semaphore, #tpu.memory_space<semaphore_mem>>
      %dma_start3A_377 = arith.constant 0 : i32
      %dma_start3A_378 = tpu.memref_slice %arg8[%run_scoped3A_202, %run_scoped3A_203, %dma_start3A_377] : memref<25x8x128xi32, #tpu.memory_space<vmem>> -> memref<1x1x128xi32, #tpu.memory_space<vmem>>
      %dma_start3A_379 = tpu.memref_squeeze %dma_start3A_378 : memref<1x1x128xi32, #tpu.memory_space<vmem>> -> memref<128xi32, #tpu.memory_space<vmem>>
      %dma_start3A_380 = arith.constant 0 : i32
      %dma_start3A_381 = arith.constant 0 : i32
      %dma_start3A_382 = tpu.memref_slice %arg25[%dma_start3A_380, %dma_start3A_381] : memref<2048x64xf32, #tpu.memory_space<vmem_shared>> -> memref<2048x64xf32, #tpu.memory_space<vmem_shared>>
      tpu.enqueue_indirect_dma source(%dma_start3A_382 : memref<2048x64xf32, #tpu.memory_space<vmem_shared>>) target(%arg13 : memref<128x64xf32, #tpu.memory_space<vmem>>) offsets(%dma_start3A_379 : memref<128xi32, #tpu.memory_space<vmem>>) semaphore(%run_scoped3A_376 : memref<!tpu.dma_semaphore, #tpu.memory_space<semaphore_mem>>)
      %dma_wait3A_383 = arith.constant 0 : i32
      %dma_wait3A_384 = tpu.memref_slice %arg8[%run_scoped3A_202, %run_scoped3A_203, %dma_wait3A_383] : memref<25x8x128xi32, #tpu.memory_space<vmem>> -> memref<1x1x128xi32, #tpu.memory_space<vmem>>
      %dma_wait3A_385 = tpu.memref_squeeze %dma_wait3A_384 : memref<1x1x128xi32, #tpu.memory_space<vmem>> -> memref<128xi32, #tpu.memory_space<vmem>>
      %dma_wait3A_386 = arith.constant 0 : i32
      %dma_wait3A_387 = arith.constant 0 : i32
      %dma_wait3A_388 = tpu.memref_slice %arg25[%dma_wait3A_386, %dma_wait3A_387] : memref<2048x64xf32, #tpu.memory_space<vmem_shared>> -> memref<2048x64xf32, #tpu.memory_space<vmem_shared>>
      tpu.wait_indirect_dma semaphore(%run_scoped3A_376 : memref<!tpu.dma_semaphore, #tpu.memory_space<semaphore_mem>>) src(%dma_wait3A_388 : memref<2048x64xf32, #tpu.memory_space<vmem_shared>>) dst(%arg13 : memref<128x64xf32, #tpu.memory_space<vmem>>)
      tpu.yield
    }) : () -> ()
    %dma_wait3A_204 = arith.constant 0 : i32
    %dma_wait3A_205 = arith.constant 0 : i32
    %dma_wait3A_206 = arith.constant 0 : i32
    %dma_wait3A_207 = tpu.memref_slice %arg7[%dma_wait3A_204, %dma_wait3A_205, %dma_wait3A_206] : memref<25x8x128xi32, #tpu.memory_space<vmem>> -> memref<1x1x128xi32, #tpu.memory_space<vmem>>
    %dma_wait3A_208 = tpu.memref_squeeze %dma_wait3A_207 : memref<1x1x128xi32, #tpu.memory_space<vmem>> -> memref<128xi32, #tpu.memory_space<vmem>>
    %dma_wait3A_209 = arith.constant 0 : i32
    %dma_wait3A_210 = arith.constant 0 : i32
    %dma_wait3A_211 = tpu.memref_slice %arg4[%dma_wait3A_209, %dma_wait3A_210] : memref<1000000x64xf32, #tpu.memory_space<hbm>> -> memref<1000000x64xf32, #tpu.memory_space<hbm>>
    tpu.wait_indirect_dma semaphore(%arg17 : memref<!tpu.dma_semaphore, #tpu.memory_space<semaphore_mem>>) src(%dma_wait3A_211 : memref<1000000x64xf32, #tpu.memory_space<hbm>>) dst(%arg9 : memref<128x64xf32, #tpu.memory_space<vmem>>)
    %dma_start3A_212 = arith.constant 196 : i32
    %dma_start3A_213 = arith.constant 0 : i32
    %dma_start3A_214 = tpu.memref_slice %arg6[%mul3A_2, %dma_start3A_212, %dma_start3A_213] : memref<4096x200x128xf32, #tpu.memory_space<hbm>> -> memref<128x1x64xf32, #tpu.memory_space<hbm>>
    %dma_start3A_215 = tpu.memref_squeeze %dma_start3A_214 : memref<128x1x64xf32, #tpu.memory_space<hbm>> -> memref<128x64xf32, #tpu.memory_space<hbm>>
    %dma_start3A_216 = arith.constant 0 : i32
    %dma_start3A_217 = tpu.memref_slice %arg6[%mul3A_2, %dma_start3A_212, %dma_start3A_216] : memref<4096x200x128xf32, #tpu.memory_space<hbm>> -> memref<128x1x64xf32, #tpu.memory_space<hbm>>
    %dma_start3A_218 = tpu.memref_squeeze %dma_start3A_217 : memref<128x1x64xf32, #tpu.memory_space<hbm>> -> memref<128x64xf32, #tpu.memory_space<hbm>>
    tpu.enqueue_dma source(%arg9 : memref<128x64xf32, #tpu.memory_space<vmem>>) target(%dma_start3A_218 : memref<128x64xf32, #tpu.memory_space<hbm>>) target_semaphore(%arg21 : memref<!tpu.dma_semaphore, #tpu.memory_space<semaphore_mem>>)
    %dma_start3A_219 = arith.constant 196 : i32
    %dma_start3A_220 = arith.constant 64 : i32
    %dma_start3A_221 = tpu.memref_slice %arg6[%mul3A_2, %dma_start3A_219, %dma_start3A_220] : memref<4096x200x128xf32, #tpu.memory_space<hbm>> -> memref<128x1x64xf32, #tpu.memory_space<hbm>>
    %dma_start3A_222 = tpu.memref_squeeze %dma_start3A_221 : memref<128x1x64xf32, #tpu.memory_space<hbm>> -> memref<128x64xf32, #tpu.memory_space<hbm>>
    %dma_start3A_223 = arith.constant 64 : i32
    %dma_start3A_224 = tpu.memref_slice %arg6[%mul3A_2, %dma_start3A_219, %dma_start3A_223] : memref<4096x200x128xf32, #tpu.memory_space<hbm>> -> memref<128x1x64xf32, #tpu.memory_space<hbm>>
    %dma_start3A_225 = tpu.memref_squeeze %dma_start3A_224 : memref<128x1x64xf32, #tpu.memory_space<hbm>> -> memref<128x64xf32, #tpu.memory_space<hbm>>
    tpu.enqueue_dma source(%arg13 : memref<128x64xf32, #tpu.memory_space<vmem>>) target(%dma_start3A_225 : memref<128x64xf32, #tpu.memory_space<hbm>>) target_semaphore(%arg21 : memref<!tpu.dma_semaphore, #tpu.memory_space<semaphore_mem>>)
    %dma_wait3A_226 = arith.constant 195 : i32
    %dma_wait3A_227 = arith.constant 0 : i32
    %dma_wait3A_228 = tpu.memref_slice %arg6[%mul3A_2, %dma_wait3A_226, %dma_wait3A_227] : memref<4096x200x128xf32, #tpu.memory_space<hbm>> -> memref<128x1x64xf32, #tpu.memory_space<hbm>>
    %dma_wait3A_229 = tpu.memref_squeeze %dma_wait3A_228 : memref<128x1x64xf32, #tpu.memory_space<hbm>> -> memref<128x64xf32, #tpu.memory_space<hbm>>
    %dma_wait3A_230 = arith.constant 0 : i32
    %dma_wait3A_231 = tpu.memref_slice %arg6[%mul3A_2, %dma_wait3A_226, %dma_wait3A_230] : memref<4096x200x128xf32, #tpu.memory_space<hbm>> -> memref<128x1x64xf32, #tpu.memory_space<hbm>>
    %dma_wait3A_232 = tpu.memref_squeeze %dma_wait3A_231 : memref<128x1x64xf32, #tpu.memory_space<hbm>> -> memref<128x64xf32, #tpu.memory_space<hbm>>
    tpu.wait_dma2 semaphore(%arg24 : memref<!tpu.dma_semaphore, #tpu.memory_space<semaphore_mem>>) src(%arg12 : memref<128x64xf32, #tpu.memory_space<vmem>>) dst(%dma_wait3A_232 : memref<128x64xf32, #tpu.memory_space<hbm>>)
    %dma_wait3A_233 = arith.constant 195 : i32
    %dma_wait3A_234 = arith.constant 64 : i32
    %dma_wait3A_235 = tpu.memref_slice %arg6[%mul3A_2, %dma_wait3A_233, %dma_wait3A_234] : memref<4096x200x128xf32, #tpu.memory_space<hbm>> -> memref<128x1x64xf32, #tpu.memory_space<hbm>>
    %dma_wait3A_236 = tpu.memref_squeeze %dma_wait3A_235 : memref<128x1x64xf32, #tpu.memory_space<hbm>> -> memref<128x64xf32, #tpu.memory_space<hbm>>
    %dma_wait3A_237 = arith.constant 64 : i32
    %dma_wait3A_238 = tpu.memref_slice %arg6[%mul3A_2, %dma_wait3A_233, %dma_wait3A_237] : memref<4096x200x128xf32, #tpu.memory_space<hbm>> -> memref<128x1x64xf32, #tpu.memory_space<hbm>>
    %dma_wait3A_239 = tpu.memref_squeeze %dma_wait3A_238 : memref<128x1x64xf32, #tpu.memory_space<hbm>> -> memref<128x64xf32, #tpu.memory_space<hbm>>
    tpu.wait_dma2 semaphore(%arg24 : memref<!tpu.dma_semaphore, #tpu.memory_space<semaphore_mem>>) src(%arg16 : memref<128x64xf32, #tpu.memory_space<vmem>>) dst(%dma_wait3A_239 : memref<128x64xf32, #tpu.memory_space<hbm>>)
    %dma_start3A_240 = arith.constant 24 : i32
    %dma_start3A_241 = arith.constant 7 : i32
    %dma_start3A_242 = arith.constant 0 : i32
    %dma_start3A_243 = tpu.memref_slice %arg7[%dma_start3A_240, %dma_start3A_241, %dma_start3A_242] : memref<25x8x128xi32, #tpu.memory_space<vmem>> -> memref<1x1x128xi32, #tpu.memory_space<vmem>>
    %dma_start3A_244 = tpu.memref_squeeze %dma_start3A_243 : memref<1x1x128xi32, #tpu.memory_space<vmem>> -> memref<128xi32, #tpu.memory_space<vmem>>
    %dma_start3A_245 = arith.constant 0 : i32
    %dma_start3A_246 = arith.constant 0 : i32
    %dma_start3A_247 = tpu.memref_slice %arg4[%dma_start3A_245, %dma_start3A_246] : memref<1000000x64xf32, #tpu.memory_space<hbm>> -> memref<1000000x64xf32, #tpu.memory_space<hbm>>
    tpu.enqueue_indirect_dma source(%dma_start3A_247 : memref<1000000x64xf32, #tpu.memory_space<hbm>>) target(%arg12 : memref<128x64xf32, #tpu.memory_space<vmem>>) offsets(%dma_start3A_244 : memref<128xi32, #tpu.memory_space<vmem>>) semaphore(%arg20 : memref<!tpu.dma_semaphore, #tpu.memory_space<semaphore_mem>>)
    %run_scoped3A_248 = arith.constant 24 : i32
    %run_scoped3A_249 = arith.constant 5 : i32
    "tpu.region"() ({
      %run_scoped3A_376 = tpu.sem_alloc : memref<!tpu.dma_semaphore, #tpu.memory_space<semaphore_mem>>
      %dma_start3A_377 = arith.constant 0 : i32
      %dma_start3A_378 = tpu.memref_slice %arg8[%run_scoped3A_248, %run_scoped3A_249, %dma_start3A_377] : memref<25x8x128xi32, #tpu.memory_space<vmem>> -> memref<1x1x128xi32, #tpu.memory_space<vmem>>
      %dma_start3A_379 = tpu.memref_squeeze %dma_start3A_378 : memref<1x1x128xi32, #tpu.memory_space<vmem>> -> memref<128xi32, #tpu.memory_space<vmem>>
      %dma_start3A_380 = arith.constant 0 : i32
      %dma_start3A_381 = arith.constant 0 : i32
      %dma_start3A_382 = tpu.memref_slice %arg25[%dma_start3A_380, %dma_start3A_381] : memref<2048x64xf32, #tpu.memory_space<vmem_shared>> -> memref<2048x64xf32, #tpu.memory_space<vmem_shared>>
      tpu.enqueue_indirect_dma source(%dma_start3A_382 : memref<2048x64xf32, #tpu.memory_space<vmem_shared>>) target(%arg14 : memref<128x64xf32, #tpu.memory_space<vmem>>) offsets(%dma_start3A_379 : memref<128xi32, #tpu.memory_space<vmem>>) semaphore(%run_scoped3A_376 : memref<!tpu.dma_semaphore, #tpu.memory_space<semaphore_mem>>)
      %dma_wait3A_383 = arith.constant 0 : i32
      %dma_wait3A_384 = tpu.memref_slice %arg8[%run_scoped3A_248, %run_scoped3A_249, %dma_wait3A_383] : memref<25x8x128xi32, #tpu.memory_space<vmem>> -> memref<1x1x128xi32, #tpu.memory_space<vmem>>
      %dma_wait3A_385 = tpu.memref_squeeze %dma_wait3A_384 : memref<1x1x128xi32, #tpu.memory_space<vmem>> -> memref<128xi32, #tpu.memory_space<vmem>>
      %dma_wait3A_386 = arith.constant 0 : i32
      %dma_wait3A_387 = arith.constant 0 : i32
      %dma_wait3A_388 = tpu.memref_slice %arg25[%dma_wait3A_386, %dma_wait3A_387] : memref<2048x64xf32, #tpu.memory_space<vmem_shared>> -> memref<2048x64xf32, #tpu.memory_space<vmem_shared>>
      tpu.wait_indirect_dma semaphore(%run_scoped3A_376 : memref<!tpu.dma_semaphore, #tpu.memory_space<semaphore_mem>>) src(%dma_wait3A_388 : memref<2048x64xf32, #tpu.memory_space<vmem_shared>>) dst(%arg14 : memref<128x64xf32, #tpu.memory_space<vmem>>)
      tpu.yield
    }) : () -> ()
    %dma_wait3A_250 = arith.constant 0 : i32
    %dma_wait3A_251 = arith.constant 0 : i32
    %dma_wait3A_252 = arith.constant 0 : i32
    %dma_wait3A_253 = tpu.memref_slice %arg7[%dma_wait3A_250, %dma_wait3A_251, %dma_wait3A_252] : memref<25x8x128xi32, #tpu.memory_space<vmem>> -> memref<1x1x128xi32, #tpu.memory_space<vmem>>
    %dma_wait3A_254 = tpu.memref_squeeze %dma_wait3A_253 : memref<1x1x128xi32, #tpu.memory_space<vmem>> -> memref<128xi32, #tpu.memory_space<vmem>>
    %dma_wait3A_255 = arith.constant 0 : i32
    %dma_wait3A_256 = arith.constant 0 : i32
    %dma_wait3A_257 = tpu.memref_slice %arg4[%dma_wait3A_255, %dma_wait3A_256] : memref<1000000x64xf32, #tpu.memory_space<hbm>> -> memref<1000000x64xf32, #tpu.memory_space<hbm>>
    tpu.wait_indirect_dma semaphore(%arg18 : memref<!tpu.dma_semaphore, #tpu.memory_space<semaphore_mem>>) src(%dma_wait3A_257 : memref<1000000x64xf32, #tpu.memory_space<hbm>>) dst(%arg10 : memref<128x64xf32, #tpu.memory_space<vmem>>)
    %dma_start3A_258 = arith.constant 197 : i32
    %dma_start3A_259 = arith.constant 0 : i32
    %dma_start3A_260 = tpu.memref_slice %arg6[%mul3A_2, %dma_start3A_258, %dma_start3A_259] : memref<4096x200x128xf32, #tpu.memory_space<hbm>> -> memref<128x1x64xf32, #tpu.memory_space<hbm>>
    %dma_start3A_261 = tpu.memref_squeeze %dma_start3A_260 : memref<128x1x64xf32, #tpu.memory_space<hbm>> -> memref<128x64xf32, #tpu.memory_space<hbm>>
    %dma_start3A_262 = arith.constant 0 : i32
    %dma_start3A_263 = tpu.memref_slice %arg6[%mul3A_2, %dma_start3A_258, %dma_start3A_262] : memref<4096x200x128xf32, #tpu.memory_space<hbm>> -> memref<128x1x64xf32, #tpu.memory_space<hbm>>
    %dma_start3A_264 = tpu.memref_squeeze %dma_start3A_263 : memref<128x1x64xf32, #tpu.memory_space<hbm>> -> memref<128x64xf32, #tpu.memory_space<hbm>>
    tpu.enqueue_dma source(%arg10 : memref<128x64xf32, #tpu.memory_space<vmem>>) target(%dma_start3A_264 : memref<128x64xf32, #tpu.memory_space<hbm>>) target_semaphore(%arg22 : memref<!tpu.dma_semaphore, #tpu.memory_space<semaphore_mem>>)
    %dma_start3A_265 = arith.constant 197 : i32
    %dma_start3A_266 = arith.constant 64 : i32
    %dma_start3A_267 = tpu.memref_slice %arg6[%mul3A_2, %dma_start3A_265, %dma_start3A_266] : memref<4096x200x128xf32, #tpu.memory_space<hbm>> -> memref<128x1x64xf32, #tpu.memory_space<hbm>>
    %dma_start3A_268 = tpu.memref_squeeze %dma_start3A_267 : memref<128x1x64xf32, #tpu.memory_space<hbm>> -> memref<128x64xf32, #tpu.memory_space<hbm>>
    %dma_start3A_269 = arith.constant 64 : i32
    %dma_start3A_270 = tpu.memref_slice %arg6[%mul3A_2, %dma_start3A_265, %dma_start3A_269] : memref<4096x200x128xf32, #tpu.memory_space<hbm>> -> memref<128x1x64xf32, #tpu.memory_space<hbm>>
    %dma_start3A_271 = tpu.memref_squeeze %dma_start3A_270 : memref<128x1x64xf32, #tpu.memory_space<hbm>> -> memref<128x64xf32, #tpu.memory_space<hbm>>
    tpu.enqueue_dma source(%arg14 : memref<128x64xf32, #tpu.memory_space<vmem>>) target(%dma_start3A_271 : memref<128x64xf32, #tpu.memory_space<hbm>>) target_semaphore(%arg22 : memref<!tpu.dma_semaphore, #tpu.memory_space<semaphore_mem>>)
    %run_scoped3A_272 = arith.constant 24 : i32
    %run_scoped3A_273 = arith.constant 6 : i32
    "tpu.region"() ({
      %run_scoped3A_376 = tpu.sem_alloc : memref<!tpu.dma_semaphore, #tpu.memory_space<semaphore_mem>>
      %dma_start3A_377 = arith.constant 0 : i32
      %dma_start3A_378 = tpu.memref_slice %arg8[%run_scoped3A_272, %run_scoped3A_273, %dma_start3A_377] : memref<25x8x128xi32, #tpu.memory_space<vmem>> -> memref<1x1x128xi32, #tpu.memory_space<vmem>>
      %dma_start3A_379 = tpu.memref_squeeze %dma_start3A_378 : memref<1x1x128xi32, #tpu.memory_space<vmem>> -> memref<128xi32, #tpu.memory_space<vmem>>
      %dma_start3A_380 = arith.constant 0 : i32
      %dma_start3A_381 = arith.constant 0 : i32
      %dma_start3A_382 = tpu.memref_slice %arg25[%dma_start3A_380, %dma_start3A_381] : memref<2048x64xf32, #tpu.memory_space<vmem_shared>> -> memref<2048x64xf32, #tpu.memory_space<vmem_shared>>
      tpu.enqueue_indirect_dma source(%dma_start3A_382 : memref<2048x64xf32, #tpu.memory_space<vmem_shared>>) target(%arg15 : memref<128x64xf32, #tpu.memory_space<vmem>>) offsets(%dma_start3A_379 : memref<128xi32, #tpu.memory_space<vmem>>) semaphore(%run_scoped3A_376 : memref<!tpu.dma_semaphore, #tpu.memory_space<semaphore_mem>>)
      %dma_wait3A_383 = arith.constant 0 : i32
      %dma_wait3A_384 = tpu.memref_slice %arg8[%run_scoped3A_272, %run_scoped3A_273, %dma_wait3A_383] : memref<25x8x128xi32, #tpu.memory_space<vmem>> -> memref<1x1x128xi32, #tpu.memory_space<vmem>>
      %dma_wait3A_385 = tpu.memref_squeeze %dma_wait3A_384 : memref<1x1x128xi32, #tpu.memory_space<vmem>> -> memref<128xi32, #tpu.memory_space<vmem>>
      %dma_wait3A_386 = arith.constant 0 : i32
      %dma_wait3A_387 = arith.constant 0 : i32
      %dma_wait3A_388 = tpu.memref_slice %arg25[%dma_wait3A_386, %dma_wait3A_387] : memref<2048x64xf32, #tpu.memory_space<vmem_shared>> -> memref<2048x64xf32, #tpu.memory_space<vmem_shared>>
      tpu.wait_indirect_dma semaphore(%run_scoped3A_376 : memref<!tpu.dma_semaphore, #tpu.memory_space<semaphore_mem>>) src(%dma_wait3A_388 : memref<2048x64xf32, #tpu.memory_space<vmem_shared>>) dst(%arg15 : memref<128x64xf32, #tpu.memory_space<vmem>>)
      tpu.yield
    }) : () -> ()
    %dma_wait3A_274 = arith.constant 0 : i32
    %dma_wait3A_275 = arith.constant 0 : i32
    %dma_wait3A_276 = arith.constant 0 : i32
    %dma_wait3A_277 = tpu.memref_slice %arg7[%dma_wait3A_274, %dma_wait3A_275, %dma_wait3A_276] : memref<25x8x128xi32, #tpu.memory_space<vmem>> -> memref<1x1x128xi32, #tpu.memory_space<vmem>>
    %dma_wait3A_278 = tpu.memref_squeeze %dma_wait3A_277 : memref<1x1x128xi32, #tpu.memory_space<vmem>> -> memref<128xi32, #tpu.memory_space<vmem>>
    %dma_wait3A_279 = arith.constant 0 : i32
    %dma_wait3A_280 = arith.constant 0 : i32
    %dma_wait3A_281 = tpu.memref_slice %arg4[%dma_wait3A_279, %dma_wait3A_280] : memref<1000000x64xf32, #tpu.memory_space<hbm>> -> memref<1000000x64xf32, #tpu.memory_space<hbm>>
    tpu.wait_indirect_dma semaphore(%arg19 : memref<!tpu.dma_semaphore, #tpu.memory_space<semaphore_mem>>) src(%dma_wait3A_281 : memref<1000000x64xf32, #tpu.memory_space<hbm>>) dst(%arg11 : memref<128x64xf32, #tpu.memory_space<vmem>>)
    %dma_start3A_282 = arith.constant 198 : i32
    %dma_start3A_283 = arith.constant 0 : i32
    %dma_start3A_284 = tpu.memref_slice %arg6[%mul3A_2, %dma_start3A_282, %dma_start3A_283] : memref<4096x200x128xf32, #tpu.memory_space<hbm>> -> memref<128x1x64xf32, #tpu.memory_space<hbm>>
    %dma_start3A_285 = tpu.memref_squeeze %dma_start3A_284 : memref<128x1x64xf32, #tpu.memory_space<hbm>> -> memref<128x64xf32, #tpu.memory_space<hbm>>
    %dma_start3A_286 = arith.constant 0 : i32
    %dma_start3A_287 = tpu.memref_slice %arg6[%mul3A_2, %dma_start3A_282, %dma_start3A_286] : memref<4096x200x128xf32, #tpu.memory_space<hbm>> -> memref<128x1x64xf32, #tpu.memory_space<hbm>>
    %dma_start3A_288 = tpu.memref_squeeze %dma_start3A_287 : memref<128x1x64xf32, #tpu.memory_space<hbm>> -> memref<128x64xf32, #tpu.memory_space<hbm>>
    tpu.enqueue_dma source(%arg11 : memref<128x64xf32, #tpu.memory_space<vmem>>) target(%dma_start3A_288 : memref<128x64xf32, #tpu.memory_space<hbm>>) target_semaphore(%arg23 : memref<!tpu.dma_semaphore, #tpu.memory_space<semaphore_mem>>)
    %dma_start3A_289 = arith.constant 198 : i32
    %dma_start3A_290 = arith.constant 64 : i32
    %dma_start3A_291 = tpu.memref_slice %arg6[%mul3A_2, %dma_start3A_289, %dma_start3A_290] : memref<4096x200x128xf32, #tpu.memory_space<hbm>> -> memref<128x1x64xf32, #tpu.memory_space<hbm>>
    %dma_start3A_292 = tpu.memref_squeeze %dma_start3A_291 : memref<128x1x64xf32, #tpu.memory_space<hbm>> -> memref<128x64xf32, #tpu.memory_space<hbm>>
    %dma_start3A_293 = arith.constant 64 : i32
    %dma_start3A_294 = tpu.memref_slice %arg6[%mul3A_2, %dma_start3A_289, %dma_start3A_293] : memref<4096x200x128xf32, #tpu.memory_space<hbm>> -> memref<128x1x64xf32, #tpu.memory_space<hbm>>
    %dma_start3A_295 = tpu.memref_squeeze %dma_start3A_294 : memref<128x1x64xf32, #tpu.memory_space<hbm>> -> memref<128x64xf32, #tpu.memory_space<hbm>>
    tpu.enqueue_dma source(%arg15 : memref<128x64xf32, #tpu.memory_space<vmem>>) target(%dma_start3A_295 : memref<128x64xf32, #tpu.memory_space<hbm>>) target_semaphore(%arg23 : memref<!tpu.dma_semaphore, #tpu.memory_space<semaphore_mem>>)
    %run_scoped3A_296 = arith.constant 24 : i32
    %run_scoped3A_297 = arith.constant 7 : i32
    "tpu.region"() ({
      %run_scoped3A_376 = tpu.sem_alloc : memref<!tpu.dma_semaphore, #tpu.memory_space<semaphore_mem>>
      %dma_start3A_377 = arith.constant 0 : i32
      %dma_start3A_378 = tpu.memref_slice %arg8[%run_scoped3A_296, %run_scoped3A_297, %dma_start3A_377] : memref<25x8x128xi32, #tpu.memory_space<vmem>> -> memref<1x1x128xi32, #tpu.memory_space<vmem>>
      %dma_start3A_379 = tpu.memref_squeeze %dma_start3A_378 : memref<1x1x128xi32, #tpu.memory_space<vmem>> -> memref<128xi32, #tpu.memory_space<vmem>>
      %dma_start3A_380 = arith.constant 0 : i32
      %dma_start3A_381 = arith.constant 0 : i32
      %dma_start3A_382 = tpu.memref_slice %arg25[%dma_start3A_380, %dma_start3A_381] : memref<2048x64xf32, #tpu.memory_space<vmem_shared>> -> memref<2048x64xf32, #tpu.memory_space<vmem_shared>>
      tpu.enqueue_indirect_dma source(%dma_start3A_382 : memref<2048x64xf32, #tpu.memory_space<vmem_shared>>) target(%arg16 : memref<128x64xf32, #tpu.memory_space<vmem>>) offsets(%dma_start3A_379 : memref<128xi32, #tpu.memory_space<vmem>>) semaphore(%run_scoped3A_376 : memref<!tpu.dma_semaphore, #tpu.memory_space<semaphore_mem>>)
      %dma_wait3A_383 = arith.constant 0 : i32
      %dma_wait3A_384 = tpu.memref_slice %arg8[%run_scoped3A_296, %run_scoped3A_297, %dma_wait3A_383] : memref<25x8x128xi32, #tpu.memory_space<vmem>> -> memref<1x1x128xi32, #tpu.memory_space<vmem>>
      %dma_wait3A_385 = tpu.memref_squeeze %dma_wait3A_384 : memref<1x1x128xi32, #tpu.memory_space<vmem>> -> memref<128xi32, #tpu.memory_space<vmem>>
      %dma_wait3A_386 = arith.constant 0 : i32
      %dma_wait3A_387 = arith.constant 0 : i32
      %dma_wait3A_388 = tpu.memref_slice %arg25[%dma_wait3A_386, %dma_wait3A_387] : memref<2048x64xf32, #tpu.memory_space<vmem_shared>> -> memref<2048x64xf32, #tpu.memory_space<vmem_shared>>
      tpu.wait_indirect_dma semaphore(%run_scoped3A_376 : memref<!tpu.dma_semaphore, #tpu.memory_space<semaphore_mem>>) src(%dma_wait3A_388 : memref<2048x64xf32, #tpu.memory_space<vmem_shared>>) dst(%arg16 : memref<128x64xf32, #tpu.memory_space<vmem>>)
      tpu.yield
    }) : () -> ()
    %dma_wait3A_298 = arith.constant 0 : i32
    %dma_wait3A_299 = arith.constant 0 : i32
    %dma_wait3A_300 = arith.constant 0 : i32
    %dma_wait3A_301 = tpu.memref_slice %arg7[%dma_wait3A_298, %dma_wait3A_299, %dma_wait3A_300] : memref<25x8x128xi32, #tpu.memory_space<vmem>> -> memref<1x1x128xi32, #tpu.memory_space<vmem>>
    %dma_wait3A_302 = tpu.memref_squeeze %dma_wait3A_301 : memref<1x1x128xi32, #tpu.memory_space<vmem>> -> memref<128xi32, #tpu.memory_space<vmem>>
    %dma_wait3A_303 = arith.constant 0 : i32
    %dma_wait3A_304 = arith.constant 0 : i32
    %dma_wait3A_305 = tpu.memref_slice %arg4[%dma_wait3A_303, %dma_wait3A_304] : memref<1000000x64xf32, #tpu.memory_space<hbm>> -> memref<1000000x64xf32, #tpu.memory_space<hbm>>
    tpu.wait_indirect_dma semaphore(%arg20 : memref<!tpu.dma_semaphore, #tpu.memory_space<semaphore_mem>>) src(%dma_wait3A_305 : memref<1000000x64xf32, #tpu.memory_space<hbm>>) dst(%arg12 : memref<128x64xf32, #tpu.memory_space<vmem>>)
    %dma_start3A_306 = arith.constant 199 : i32
    %dma_start3A_307 = arith.constant 0 : i32
    %dma_start3A_308 = tpu.memref_slice %arg6[%mul3A_2, %dma_start3A_306, %dma_start3A_307] : memref<4096x200x128xf32, #tpu.memory_space<hbm>> -> memref<128x1x64xf32, #tpu.memory_space<hbm>>
    %dma_start3A_309 = tpu.memref_squeeze %dma_start3A_308 : memref<128x1x64xf32, #tpu.memory_space<hbm>> -> memref<128x64xf32, #tpu.memory_space<hbm>>
    %dma_start3A_310 = arith.constant 0 : i32
    %dma_start3A_311 = tpu.memref_slice %arg6[%mul3A_2, %dma_start3A_306, %dma_start3A_310] : memref<4096x200x128xf32, #tpu.memory_space<hbm>> -> memref<128x1x64xf32, #tpu.memory_space<hbm>>
    %dma_start3A_312 = tpu.memref_squeeze %dma_start3A_311 : memref<128x1x64xf32, #tpu.memory_space<hbm>> -> memref<128x64xf32, #tpu.memory_space<hbm>>
    tpu.enqueue_dma source(%arg12 : memref<128x64xf32, #tpu.memory_space<vmem>>) target(%dma_start3A_312 : memref<128x64xf32, #tpu.memory_space<hbm>>) target_semaphore(%arg24 : memref<!tpu.dma_semaphore, #tpu.memory_space<semaphore_mem>>)
    %dma_start3A_313 = arith.constant 199 : i32
    %dma_start3A_314 = arith.constant 64 : i32
    %dma_start3A_315 = tpu.memref_slice %arg6[%mul3A_2, %dma_start3A_313, %dma_start3A_314] : memref<4096x200x128xf32, #tpu.memory_space<hbm>> -> memref<128x1x64xf32, #tpu.memory_space<hbm>>
    %dma_start3A_316 = tpu.memref_squeeze %dma_start3A_315 : memref<128x1x64xf32, #tpu.memory_space<hbm>> -> memref<128x64xf32, #tpu.memory_space<hbm>>
    %dma_start3A_317 = arith.constant 64 : i32
    %dma_start3A_318 = tpu.memref_slice %arg6[%mul3A_2, %dma_start3A_313, %dma_start3A_317] : memref<4096x200x128xf32, #tpu.memory_space<hbm>> -> memref<128x1x64xf32, #tpu.memory_space<hbm>>
    %dma_start3A_319 = tpu.memref_squeeze %dma_start3A_318 : memref<128x1x64xf32, #tpu.memory_space<hbm>> -> memref<128x64xf32, #tpu.memory_space<hbm>>
    tpu.enqueue_dma source(%arg16 : memref<128x64xf32, #tpu.memory_space<vmem>>) target(%dma_start3A_319 : memref<128x64xf32, #tpu.memory_space<hbm>>) target_semaphore(%arg24 : memref<!tpu.dma_semaphore, #tpu.memory_space<semaphore_mem>>)
    %dma_wait3A_320 = arith.constant 196 : i32
    %dma_wait3A_321 = arith.constant 0 : i32
    %dma_wait3A_322 = tpu.memref_slice %arg6[%mul3A_2, %dma_wait3A_320, %dma_wait3A_321] : memref<4096x200x128xf32, #tpu.memory_space<hbm>> -> memref<128x1x64xf32, #tpu.memory_space<hbm>>
    %dma_wait3A_323 = tpu.memref_squeeze %dma_wait3A_322 : memref<128x1x64xf32, #tpu.memory_space<hbm>> -> memref<128x64xf32, #tpu.memory_space<hbm>>
    %dma_wait3A_324 = arith.constant 0 : i32
    %dma_wait3A_325 = tpu.memref_slice %arg6[%mul3A_2, %dma_wait3A_320, %dma_wait3A_324] : memref<4096x200x128xf32, #tpu.memory_space<hbm>> -> memref<128x1x64xf32, #tpu.memory_space<hbm>>
    %dma_wait3A_326 = tpu.memref_squeeze %dma_wait3A_325 : memref<128x1x64xf32, #tpu.memory_space<hbm>> -> memref<128x64xf32, #tpu.memory_space<hbm>>
    tpu.wait_dma2 semaphore(%arg21 : memref<!tpu.dma_semaphore, #tpu.memory_space<semaphore_mem>>) src(%arg9 : memref<128x64xf32, #tpu.memory_space<vmem>>) dst(%dma_wait3A_326 : memref<128x64xf32, #tpu.memory_space<hbm>>)
    %dma_wait3A_327 = arith.constant 196 : i32
    %dma_wait3A_328 = arith.constant 64 : i32
    %dma_wait3A_329 = tpu.memref_slice %arg6[%mul3A_2, %dma_wait3A_327, %dma_wait3A_328] : memref<4096x200x128xf32, #tpu.memory_space<hbm>> -> memref<128x1x64xf32, #tpu.memory_space<hbm>>
    %dma_wait3A_330 = tpu.memref_squeeze %dma_wait3A_329 : memref<128x1x64xf32, #tpu.memory_space<hbm>> -> memref<128x64xf32, #tpu.memory_space<hbm>>
    %dma_wait3A_331 = arith.constant 64 : i32
    %dma_wait3A_332 = tpu.memref_slice %arg6[%mul3A_2, %dma_wait3A_327, %dma_wait3A_331] : memref<4096x200x128xf32, #tpu.memory_space<hbm>> -> memref<128x1x64xf32, #tpu.memory_space<hbm>>
    %dma_wait3A_333 = tpu.memref_squeeze %dma_wait3A_332 : memref<128x1x64xf32, #tpu.memory_space<hbm>> -> memref<128x64xf32, #tpu.memory_space<hbm>>
    tpu.wait_dma2 semaphore(%arg21 : memref<!tpu.dma_semaphore, #tpu.memory_space<semaphore_mem>>) src(%arg13 : memref<128x64xf32, #tpu.memory_space<vmem>>) dst(%dma_wait3A_333 : memref<128x64xf32, #tpu.memory_space<hbm>>)
    %dma_wait3A_334 = arith.constant 197 : i32
    %dma_wait3A_335 = arith.constant 0 : i32
    %dma_wait3A_336 = tpu.memref_slice %arg6[%mul3A_2, %dma_wait3A_334, %dma_wait3A_335] : memref<4096x200x128xf32, #tpu.memory_space<hbm>> -> memref<128x1x64xf32, #tpu.memory_space<hbm>>
    %dma_wait3A_337 = tpu.memref_squeeze %dma_wait3A_336 : memref<128x1x64xf32, #tpu.memory_space<hbm>> -> memref<128x64xf32, #tpu.memory_space<hbm>>
    %dma_wait3A_338 = arith.constant 0 : i32
    %dma_wait3A_339 = tpu.memref_slice %arg6[%mul3A_2, %dma_wait3A_334, %dma_wait3A_338] : memref<4096x200x128xf32, #tpu.memory_space<hbm>> -> memref<128x1x64xf32, #tpu.memory_space<hbm>>
    %dma_wait3A_340 = tpu.memref_squeeze %dma_wait3A_339 : memref<128x1x64xf32, #tpu.memory_space<hbm>> -> memref<128x64xf32, #tpu.memory_space<hbm>>
    tpu.wait_dma2 semaphore(%arg22 : memref<!tpu.dma_semaphore, #tpu.memory_space<semaphore_mem>>) src(%arg10 : memref<128x64xf32, #tpu.memory_space<vmem>>) dst(%dma_wait3A_340 : memref<128x64xf32, #tpu.memory_space<hbm>>)
    %dma_wait3A_341 = arith.constant 197 : i32
    %dma_wait3A_342 = arith.constant 64 : i32
    %dma_wait3A_343 = tpu.memref_slice %arg6[%mul3A_2, %dma_wait3A_341, %dma_wait3A_342] : memref<4096x200x128xf32, #tpu.memory_space<hbm>> -> memref<128x1x64xf32, #tpu.memory_space<hbm>>
    %dma_wait3A_344 = tpu.memref_squeeze %dma_wait3A_343 : memref<128x1x64xf32, #tpu.memory_space<hbm>> -> memref<128x64xf32, #tpu.memory_space<hbm>>
    %dma_wait3A_345 = arith.constant 64 : i32
    %dma_wait3A_346 = tpu.memref_slice %arg6[%mul3A_2, %dma_wait3A_341, %dma_wait3A_345] : memref<4096x200x128xf32, #tpu.memory_space<hbm>> -> memref<128x1x64xf32, #tpu.memory_space<hbm>>
    %dma_wait3A_347 = tpu.memref_squeeze %dma_wait3A_346 : memref<128x1x64xf32, #tpu.memory_space<hbm>> -> memref<128x64xf32, #tpu.memory_space<hbm>>
    tpu.wait_dma2 semaphore(%arg22 : memref<!tpu.dma_semaphore, #tpu.memory_space<semaphore_mem>>) src(%arg14 : memref<128x64xf32, #tpu.memory_space<vmem>>) dst(%dma_wait3A_347 : memref<128x64xf32, #tpu.memory_space<hbm>>)
    %dma_wait3A_348 = arith.constant 198 : i32
    %dma_wait3A_349 = arith.constant 0 : i32
    %dma_wait3A_350 = tpu.memref_slice %arg6[%mul3A_2, %dma_wait3A_348, %dma_wait3A_349] : memref<4096x200x128xf32, #tpu.memory_space<hbm>> -> memref<128x1x64xf32, #tpu.memory_space<hbm>>
    %dma_wait3A_351 = tpu.memref_squeeze %dma_wait3A_350 : memref<128x1x64xf32, #tpu.memory_space<hbm>> -> memref<128x64xf32, #tpu.memory_space<hbm>>
    %dma_wait3A_352 = arith.constant 0 : i32
    %dma_wait3A_353 = tpu.memref_slice %arg6[%mul3A_2, %dma_wait3A_348, %dma_wait3A_352] : memref<4096x200x128xf32, #tpu.memory_space<hbm>> -> memref<128x1x64xf32, #tpu.memory_space<hbm>>
    %dma_wait3A_354 = tpu.memref_squeeze %dma_wait3A_353 : memref<128x1x64xf32, #tpu.memory_space<hbm>> -> memref<128x64xf32, #tpu.memory_space<hbm>>
    tpu.wait_dma2 semaphore(%arg23 : memref<!tpu.dma_semaphore, #tpu.memory_space<semaphore_mem>>) src(%arg11 : memref<128x64xf32, #tpu.memory_space<vmem>>) dst(%dma_wait3A_354 : memref<128x64xf32, #tpu.memory_space<hbm>>)
    %dma_wait3A_355 = arith.constant 198 : i32
    %dma_wait3A_356 = arith.constant 64 : i32
    %dma_wait3A_357 = tpu.memref_slice %arg6[%mul3A_2, %dma_wait3A_355, %dma_wait3A_356] : memref<4096x200x128xf32, #tpu.memory_space<hbm>> -> memref<128x1x64xf32, #tpu.memory_space<hbm>>
    %dma_wait3A_358 = tpu.memref_squeeze %dma_wait3A_357 : memref<128x1x64xf32, #tpu.memory_space<hbm>> -> memref<128x64xf32, #tpu.memory_space<hbm>>
    %dma_wait3A_359 = arith.constant 64 : i32
    %dma_wait3A_360 = tpu.memref_slice %arg6[%mul3A_2, %dma_wait3A_355, %dma_wait3A_359] : memref<4096x200x128xf32, #tpu.memory_space<hbm>> -> memref<128x1x64xf32, #tpu.memory_space<hbm>>
    %dma_wait3A_361 = tpu.memref_squeeze %dma_wait3A_360 : memref<128x1x64xf32, #tpu.memory_space<hbm>> -> memref<128x64xf32, #tpu.memory_space<hbm>>
    tpu.wait_dma2 semaphore(%arg23 : memref<!tpu.dma_semaphore, #tpu.memory_space<semaphore_mem>>) src(%arg15 : memref<128x64xf32, #tpu.memory_space<vmem>>) dst(%dma_wait3A_361 : memref<128x64xf32, #tpu.memory_space<hbm>>)
    %dma_wait3A_362 = arith.constant 199 : i32
    %dma_wait3A_363 = arith.constant 0 : i32
    %dma_wait3A_364 = tpu.memref_slice %arg6[%mul3A_2, %dma_wait3A_362, %dma_wait3A_363] : memref<4096x200x128xf32, #tpu.memory_space<hbm>> -> memref<128x1x64xf32, #tpu.memory_space<hbm>>
    %dma_wait3A_365 = tpu.memref_squeeze %dma_wait3A_364 : memref<128x1x64xf32, #tpu.memory_space<hbm>> -> memref<128x64xf32, #tpu.memory_space<hbm>>
    %dma_wait3A_366 = arith.constant 0 : i32
    %dma_wait3A_367 = tpu.memref_slice %arg6[%mul3A_2, %dma_wait3A_362, %dma_wait3A_366] : memref<4096x200x128xf32, #tpu.memory_space<hbm>> -> memref<128x1x64xf32, #tpu.memory_space<hbm>>
    %dma_wait3A_368 = tpu.memref_squeeze %dma_wait3A_367 : memref<128x1x64xf32, #tpu.memory_space<hbm>> -> memref<128x64xf32, #tpu.memory_space<hbm>>
    tpu.wait_dma2 semaphore(%arg24 : memref<!tpu.dma_semaphore, #tpu.memory_space<semaphore_mem>>) src(%arg12 : memref<128x64xf32, #tpu.memory_space<vmem>>) dst(%dma_wait3A_368 : memref<128x64xf32, #tpu.memory_space<hbm>>)
    %dma_wait3A_369 = arith.constant 199 : i32
    %dma_wait3A_370 = arith.constant 64 : i32
    %dma_wait3A_371 = tpu.memref_slice %arg6[%mul3A_2, %dma_wait3A_369, %dma_wait3A_370] : memref<4096x200x128xf32, #tpu.memory_space<hbm>> -> memref<128x1x64xf32, #tpu.memory_space<hbm>>
    %dma_wait3A_372 = tpu.memref_squeeze %dma_wait3A_371 : memref<128x1x64xf32, #tpu.memory_space<hbm>> -> memref<128x64xf32, #tpu.memory_space<hbm>>
    %dma_wait3A_373 = arith.constant 64 : i32
    %dma_wait3A_374 = tpu.memref_slice %arg6[%mul3A_2, %dma_wait3A_369, %dma_wait3A_373] : memref<4096x200x128xf32, #tpu.memory_space<hbm>> -> memref<128x1x64xf32, #tpu.memory_space<hbm>>
    %dma_wait3A_375 = tpu.memref_squeeze %dma_wait3A_374 : memref<128x1x64xf32, #tpu.memory_space<hbm>> -> memref<128x64xf32, #tpu.memory_space<hbm>>
    tpu.wait_dma2 semaphore(%arg24 : memref<!tpu.dma_semaphore, #tpu.memory_space<semaphore_mem>>) src(%arg16 : memref<128x64xf32, #tpu.memory_space<vmem>>) dst(%dma_wait3A_375 : memref<128x64xf32, #tpu.memory_space<hbm>>)
    return
  }
}

</mosaic_0001>

<sc_bundles>
// kernel: kernel.3.cloned.1.call-start
scs
__scs_entry_jumppad:
0x0: {  	(pc) =	sbr.rel $0x88, $3  }
0x1: {  	(tag) =	ssettag $0x0;
	lr =	simm.s32 $0x1  }
0x2: {  	[smem:$0x3F9D] =	sst lr;
	_ =	strace $0xD0000000  }
0x3: {  	_ = 	snop  }
0x4: {  	_ = 	snop  }
0x5: {  	_ = 	snop  }
0x6: {  	_ = 	snop  }
0x7: {  	_ = 	snop  }
__scs_overlays_trampoline_lowered:
0x8: {  	[smem:$0x3FAC] =	sst s0  }
0x9: {  	[smem:$0x3FAD] =	sst s1  }
0xa: {  	[smem:$0x3FAE] =	sst s2  }
0xb: {  	[smem:$0x3FAF] =	sst s3  }
0xc: {  	[smem:$0x3FB0] =	sst s4  }
0xd: {  	[smem:$0x3FB1] =	sst s5  }
0xe: {  	[smem:$0x3FB2] =	sst s6  }
0xf: {  	[smem:$0x3FB3] =	sst s7  }
0x10: {  	[smem:$0x3FB4] =	sst s8  }
0x11: {  	[smem:$0x3FB5] =	sst s9;
	s0 =	simm.s32 @!p0 $0x0  }
0x12: {  	s1 =	sld [smem:$0x3F9B];
	s0 =	simm.s32 @p0 $0x1  }
0x13: {  	[smem:$0x3FB6] =	sst s0;
	s0 =	simm.s32 @!p1 $0x0  }
0x14: {  	s2 =	sld [smem:$0x3F9A];
	s0 =	simm.s32 @p1 $0x1  }
0x15: {  	[smem:$0x3FB7] =	sst s0;
	s0 =	simm.s32 @!p2 $0x0  }
0x16: {  	s3 =	sld [smem:$0x3FDB];
	s0 =	simm.s32 @p2 $0x1  }
0x17: {  	s4 =	simm.s32 $0x1BF5;
	[smem:$0x3FB9] =	sst s0  }
0x18: {  	s0 =	sld [smem:$0x3F9C];
	_ =	swait.ge [sflag:s4], $0x0  }
0x19: {  	s7 =	sld [smem:$0x3F9D]  }
0x1a: {  	s8 =	sadd.s32 $0xFFFFE003, lr  }
0x1b: {  	s9 =	sadd.s32 $0xFFFFFEF7, lr;
	s5 =	simm.s32 $0xFFFFFFFF;
	p2 =	slt.u32 s8, $0xFFFFF086  }
0x1c: {  	p1 =	slt.u32 s9, $0xF7A;
	s5 =	simm.s32 @!p2 $0x0  }
0x1d: {  	s5 =	simm.s32 @p1 $0x1;
	p0 =	seq.s32 s7, s2  }
0x1e: {  	s7 =	smul.u32 @!p0 $0xF7A, s2;
	p2 =	seq.s32 @!p0 s5, $0x0  }
0x1f: {  	s9 =	smul.u32 $0xF7A, s1;
	s8 =	simm.s32 @!p0 $0x1BF5;
	p2 =	por !p2, p0  }
0x20: {  	[sflag:s8] =	ssyncset.s32 @!p0 $0xFFFFF086;
	s6 =	sadd.s32 @!p0 s3, s7;
	s7 =	simm.s32 @!p0 $0x108  }
0x21: {  	s3 =	sadd.s32 s3, s9;
	s6 =	sadd.s32 @!p0 $0x88, s6;
	s7 =	simm.s32 @p2 $0x1082  }
0x22: {  	[simem:s7], [sflag:s8] =	dma.local @!p0 [hbm:s6], $0xF7A  }
0x23: {  	s9 =	sor.u32 $0xD0000000, s2;
	s6 =	simm.s32 $0x108;
	_ =	swait.ge @!p0 [sflag:s8], $0x0  }
0x24: {  	s3 =	sadd.s32 $0x88, s3;
	s6 =	simm.s32 @!p1 $0x1082;
	[sflag:s4] =	ssyncset.s32 $0xFFFFF086  }
0x25: {  	[simem:s6], [sflag:s4] =	dma.local [hbm:s3], $0xF7A  }
0x26: {  	[smem:$0x3F9D] =	sst s1;
	(tag) =	ssettag s2;
	_ =	strace s9  }
0x27: {  	s1 =	sld [smem:$0x3FAD]  }
0x28: {  	s2 =	sld [smem:$0x3FAE]  }
0x29: {  	s4 =	sld [smem:$0x3FB0]  }
0x2a: {  	p0 =	seq.s32 s5, $0x0;
	s5 =	sld [smem:$0x3FB1]  }
0x2b: {  	s6 =	sld [smem:$0x3FB2]  }
0x2c: {  	s7 =	sld [smem:$0x3FB3]  }
0x2d: {  	s3 =	simm.s32 $0x108;
	s8 =	sld [smem:$0x3FB4]  }
0x2e: {  	s3 =	simm.s32 @!p0 $0x1082;
	s9 =	sld [smem:$0x3FB5]  }
0x2f: {  	lr =	sadd.s32 s0, s3;
	s0 =	sld [smem:$0x3FAC]  }
0x30: {  	s3 =	sld [smem:$0x3FAF]  }
0x31: {  	[smem:$0x3FB8] =	sst s10  }
0x32: {  	s10 =	sld [smem:$0x3FB6];
	_ =	sdelay $0x3  }
0x33: {  	p0 =	seq.s32 s10, $0x1;
	s10 =	sld [smem:$0x3FB8];
	_ =	sdelay $0x3  }
0x34: {  	[smem:$0x3FB8] =	sst s10  }
0x35: {  	s10 =	sld [smem:$0x3FB7];
	_ =	sdelay $0x3  }
0x36: {  	p1 =	seq.s32 s10, $0x1;
	s10 =	sld [smem:$0x3FB8];
	_ =	sdelay $0x3  }
0x37: {  	[smem:$0x3FB8] =	sst s10  }
0x38: {  	s10 =	sld [smem:$0x3FB9]  }
0x39: {  	_ = 	snop;
	(pc) =	sbr.ind lr, $3  }
0x3a: {  	_ = 	snop  }
0x3b: {  	_ = 	snop  }
0x3c: {  	p2 =	seq.s32 s10, $0x1;
	s10 =	sld [smem:$0x3FB8]  }
0x3d: {  	_ =	shalt  }
0x3e: {  	_ =	shalt  }
0x3f: {  	_ =	shalt  }
0x40: {  	_ =	shalt  }
0x41: {  	_ =	shalt  }
0x42: {  	_ =	shalt  }
0x43: {  	_ =	shalt  }
0x44: {  	_ =	shalt  }
0x45: {  	_ =	shalt  }
0x46: {  	_ =	shalt  }
0x47: {  	_ =	shalt  }
0x48: {  	_ =	shalt  }
0x49: {  	_ =	shalt  }
0x4a: {  	_ =	shalt  }
0x4b: {  	_ =	shalt  }
0x4c: {  	_ =	shalt  }
0x4d: {  	_ =	shalt  }
0x4e: {  	_ =	shalt  }
0x4f: {  	_ =	shalt  }
0x50: {  	_ =	shalt  }
0x51: {  	_ =	shalt  }
0x52: {  	_ =	shalt  }
0x53: {  	_ =	shalt  }
0x54: {  	_ =	shalt  }
0x55: {  	_ =	shalt  }
0x56: {  	_ =	shalt  }
0x57: {  	_ =	shalt  }
0x58: {  	_ =	shalt  }
0x59: {  	_ =	shalt  }
0x5a: {  	_ =	shalt  }
0x5b: {  	_ =	shalt  }
0x5c: {  	_ =	shalt  }
0x5d: {  	_ =	shalt  }
0x5e: {  	_ =	shalt  }
0x5f: {  	_ =	shalt  }
0x60: {  	_ =	shalt  }
0x61: {  	_ =	shalt  }
0x62: {  	_ =	shalt  }
0x63: {  	_ =	shalt  }
0x64: {  	_ =	shalt  }
0x65: {  	_ =	shalt  }
0x66: {  	_ =	shalt  }
0x67: {  	_ =	shalt  }
0x68: {  	_ =	shalt  }
0x69: {  	_ =	shalt  }
0x6a: {  	_ =	shalt  }
0x6b: {  	_ =	shalt  }
0x6c: {  	_ =	shalt  }
0x6d: {  	_ =	shalt  }
0x6e: {  	_ =	shalt  }
0x6f: {  	_ =	shalt  }
0x70: {  	_ =	shalt  }
0x71: {  	_ =	shalt  }
0x72: {  	_ =	shalt  }
0x73: {  	_ =	shalt  }
0x74: {  	_ =	shalt  }
0x75: {  	_ =	shalt  }
0x76: {  	_ =	shalt  }
0x77: {  	_ =	shalt  }
0x78: {  	_ =	shalt  }
0x79: {  	_ =	shalt  }
0x7a: {  	_ =	shalt  }
0x7b: {  	_ =	shalt  }
0x7c: {  	_ =	shalt  }
0x7d: {  	_ =	shalt  }
0x7e: {  	_ =	shalt  }
0x7f: {  	_ =	shalt  }
0x80: {  	_ =	shalt  }
0x81: {  	_ =	shalt  }
0x82: {  	_ =	shalt  }
0x83: {  	_ =	shalt  }
0x84: {  	_ =	shalt  }
0x85: {  	_ =	shalt  }
0x86: {  	_ =	shalt  }
0x87: {  	_ =	shalt  }
.Lfunc_end0:
.L_simem_size_0:
called_computation_lowered:
.L_overlay_start_0:
0x88: {  	s2 =	sld [smem:$0x3FD9]  }
0x89: {  	s3 =	sld [smem:$0x3FFE];
	_ =	sdelay $0x1  }
0x8a: {  	s1 =	srdreg.scid  }
0x8b: {  	s0 =	sand.u32 $0x1, s1  }
0x8c: {  	s17 =	sshll.u32 s0, $0xA;
	s2 =	sadd.s32 s3, s2  }
0x8d: {  	s2 =	sadd.s32 s2, s17  }
0x8e: {  	[smem:$0x3FC4] =	sst s2  }
0x8f: {  	_ = 	snop  }
0x90: {  	s2 =	sld [smem:$0x3FC9]  }
0x91: {  	s18 =	sld [smem:$0x3FC8]  }
0x92: {  	s4 =	sld [smem:$0x3FD0];
	(tm) =	ssettm $0x1  }
0x93: {  	s5 =	sld [smem:$0x3FFB];
	_ =	sdelay $0x3  }
0x94: {  	_ =	strace s5  }
0x95: {  	s5 =	sld [smem:$0x3FFC];
	_ =	sdelay $0x3  }
0x96: {  	_ =	strace s5  }
0x97: {  	s5 =	sld [smem:$0x3FFD];
	_ =	sdelay $0x3  }
0x98: {  	_ =	strace s5  }
0x99: {  	_ =	strace $0x8FFFFFFF  }
0x9a: {  	s19 =	sld [smem:$0x3FDB];
	_ =	sdelay $0x1  }
0x9b: {  	s6 =	simm.s32 $_scs_section_size  }
0x9c: {  	s7 =	simm.s32 $_size__tile_overlayer_lowered;
	s8 =	simm.s32 $_tile_overlayer_lowered  }
0x9d: {  	s22 =	simm.s32 $0x1BFF;
	s21 =	sshll.u32 s8, $0x1;
	s5 =	sadd.s32 s6, s19  }
0x9e: {  	s9 =	simm.s32 $0x0;
	s20 =	sshll.u32 s7, $0x1;
	s7 =	sadd.s32 s21, s5  }
0x9f: {  	[timem:s9], [sflag:s22] =	dma.local [hbm:s7], s20  }
0xa0: {  	_ =	swait.ge [sflag:s22], s20  }
0xa1: {  	s6 =	ssub.s32 $0x0, s20;
	[sflag:s22] =	ssyncset.done $0x0  }
0xa2: {  	[sflag:s22] =	ssyncadd.s32 s6;
	_ =	sdelay $0x1  }
0xa3: {  	s23 =	simm.s32 $0x1B8B  }
0xa4: {  	_ =	swait.ge [sflag:s23], $0x1  }
0xa5: {  	[sflag:s23] =	ssyncset.done $0x0  }
0xa6: {  	s25 =	simm.s32 $0x1B8E;
	s24 =	sld [smem:$0x3FFE];
	[sflag:s23] =	ssyncadd.s32 $0xFFFFFFFF  }
0xa7: {  	s26 =	simm.s32 $execute0_lowered;
	[smem:$0x3FD2] =	sst s25  }
0xa8: {  	s7 =	sshll.u32 s26, $0x1;
	_ =	strace $0x80000046;
	[dreg:$0x1] =	wrdreg $0xFFFFFFFF  }
0xa9: {  	s28 =	simm.s32 $_size_execute0_lowered;
	s5 =	sadd.s32 s5, s7;
	[dreg:$0x0] =	wrdreg $0x0  }
0xaa: {  	s7 =	sshll.u32 s28, $0x1;
	[dreg:$0x2] =	wrdreg s5  }
0xab: {  	[dreg:$0x3] =	wrdreg s7  }
0xac: {  	[dreg:$0x4] =	wrdreg $0xC0  }
0xad: {  	_ =	task [dreg:s9], $0x5FFFF  }
0xae: {  	[dreg:$0x1] =	wrdreg $0xFFFFFFFF  }
0xaf: {  	[dreg:$0x0] =	wrdreg $0x60  }
0xb0: {  	[dreg:$0x2] =	wrdreg s2  }
0xb1: {  	[dreg:$0x3] =	wrdreg s18  }
0xb2: {  	[dreg:$0x4] =	wrdreg s24  }
0xb3: {  	[dreg:$0x5] =	wrdreg s4  }
0xb4: {  	[dreg:$0x6] =	wrdreg $0x1C8000  }
0xb5: {  	[dreg:$0x7] =	wrdreg $0x9  }
0xb6: {  	_ =	task.clear_ibuf [dreg:s9], $0x8FFFF;
	_ =	strace $0x90000046  }
0xb7: {  	s29 =	simm.s32 $0x9;
	_ =	strace $0x80000048  }
0xb8: {  	_ =	swait.ge [sflag:s29], $0x1  }
0xb9: {  	[sflag:s29] =	ssyncadd.s32 $0xFFFFFFFF  }
0xba: {  	_ =	strace $0x90000048  }
0xbb: {  	_ =	sfence  }
0xbc: {  	s30 =	sld [smem:$0x0];
	_ =	sdelay $0x2  }
0xbd: {  	s31 =	sshll.u32 s1, $0xD;
	s1 =	sshrl.u32 s1, $0x2  }
0xbe: {  	s3 =	sand.u32 $0x4000, s31;
	s1 =	sadd.s32 s1, s30  }
0xbf: {  	s0 =	sor.u32 s3, s0;
	s1 =	sshll.u32 s1, $0x11  }
0xc0: {  	s0 =	sor.u32 s1, s0  }
0xc1: {  	s0 =	sadd.s32 $0x8F2B, s0  }
0xc2: {  	[sflag:s0] =	ssyncadd.remote.s32 $0x1  }
0xc3: {  	_ =	sfence.sel $0xFFFF  }
0xc4: {  	[dreg:$0x0] =	wrdreg $0xFFFFFFFF;
	(pc) =	sbr.abs _section_cstart, $3  }
0xc5: {  	[dreg:$0x1] =	wrdreg $0xFFFFFFFF  }
0xc6: {  	_ =	task.clear_ibuf [dreg:s9], $0x2FFFF;
	_ =	strace $0x9FFFFFFF  }
0xc7: {  	(tm) =	ssettm $0x7FFFFFFF  }
tec
execute0_lowered:
.L_overlay_start_1:
0x0: {  	(tag) =	ssettag $0x1  }
0x1: {  	s0 =	rddreg [dreg:$0x0]  }
0x2: {  	s1 =	rddreg [dreg:$0x1]  }
0x3: {  	s3 =	rddreg [dreg:$0x2]  }
0x4: {  	s4 =	rddreg [dreg:$0x3]  }
0x5: {  	s2 =	rddreg [dreg:$0x4];
	s5 =	simm.s32 $0x0;
	s24 =	srdreg.scid  }
0x6: {  	s11 =	stileid.u32;
	[smem:$0x7FF] =	sst s5  }
0x7: {  	s6 =	sand.u32 $0x1, s24;
	s5 =	sadd.s32 $0xF42A00, s3;
	s8 =	sshll.u32 s11, $0x1  }
0x8: {  	s9 =	sshll.u32 s11, $0xA;
	s26 =	sshll.u32 s11, $0xD;
	_ =	strace $0x80000047  }
0x9: {  	s7 =	ssub.s32 $0x2, s6;
	s8 =	sor.u32 s6, s8;
	s3 =	sadd.s32 s9, s3  }
0xa: {  	s10 =	sshrl.u32 s7, $0x1;
	s25 =	smul.u32 $0x320000, s8;
	s3 =	sadd.s32 $0x600, s3  }
0xb: {  	s8 =	sshll.u32 s8, $0x7;
	[dreg:$0xa] =	wrdreg s3;
	s3 =	sadd.s32 s26, s2  }
0xc: {  	s7 =	ssub.s32 s7, s10;
	s0 =	sadd.s32 s0, s8;
	[dreg:$0xb] =	wrdreg s3  }
0xd: {  	s1 =	sadd.s32 s1, s8;
	[dreg:$0xc] =	wrdreg s0;
	s30 =	sshrl.u32 s25, $0x3  }
0xe: {  	[dreg:$0xd] =	wrdreg s1;
	s4 =	sadd.s32 s4, s30;
	s30 =	smax.u32 s7, $0x1  }
0xf: {  	[dreg:$0x1d] =	wrdreg s30  }
0x10: {  	s3 =	sadd.s32 $0x8, s4;
	[dreg:$0xe] =	wrdreg s4  }
0x11: {  	s8 =	sadd.s32 $0x10, s4;
	[dreg:$0xf] =	wrdreg s3  }
0x12: {  	s10 =	sadd.s32 $0x18, s4;
	[dreg:$0x10] =	wrdreg s8  }
0x13: {  	s31 =	smul.u32 $0x640000, s11;
	s11 =	sadd.s32 $0x20, s4;
	[dreg:$0x11] =	wrdreg s10  }
0x14: {  	s12 =	sadd.s32 $0x28, s4;
	[dreg:$0x12] =	wrdreg s11  }
0x15: {  	s13 =	sadd.s32 $0x30, s4;
	[dreg:$0x13] =	wrdreg s12  }
0x16: {  	s9 =	smul.u32 $0x320000, s6;
	s14 =	sadd.s32 $0x38, s4;
	[dreg:$0x14] =	wrdreg s13  }
0x17: {  	s28 =	simm.s32 $0x14800;
	s15 =	sadd.s32 $0xC40, s4;
	[dreg:$0x15] =	wrdreg s14  }
0x18: {  	s0 =	sadd.s32 s9, s31;
	s16 =	sadd.s32 $0xC48, s4;
	[dreg:$0x16] =	wrdreg s15  }
0x19: {  	s17 =	sor.u32 $0x200, s0;
	s18 =	sadd.s32 $0xC50, s4;
	[dreg:$0x17] =	wrdreg s16  }
0x1a: {  	s19 =	sor.u32 $0x280, s0;
	s1 =	sshrl.u32 s17, $0x3;
	[dreg:$0x18] =	wrdreg s18  }
0x1b: {  	s29 =	simm.s32 $0x9;
	s20 =	sshrl.u32 s19, $0x3;
	[dreg:$0x6] =	wrdreg s1  }
0x1c: {  	s21 =	sor.u32 $0x380, s0;
	s23 =	sadd.s32 $0xC58, s4;
	[dreg:$0x7] =	wrdreg s20  }
0x1d: {  	s6 =	simm.s32 $0xC800;
	s22 =	sshrl.u32 s21, $0x3;
	[dreg:$0x19] =	wrdreg s23  }
0x1e: {  	s9 =	simm.s32 $0x1;
	s24 =	sadd.s32 $0xC60, s4;
	[dreg:$0x8] =	wrdreg s22  }
0x1f: {  	s0 =	sor.u32 $0x300, s0;
	s25 =	sadd.s32 $0xC68, s4;
	[dreg:$0x1a] =	wrdreg s24  }
0x20: {  	s7 =	simm.s32 $0xE800;
	s0 =	sshrl.u32 s0, $0x3;
	[dreg:$0x1b] =	wrdreg s25  }
0x21: {  	s26 =	sadd.s32 $0xC70, s4;
	s31 =	sadd.s32 $0xC78, s4;
	[dreg:$0x9] =	wrdreg s0  }
0x22: {  	s17 =	simm.s32 $0x3;
	s19 =	simm.s32 $0x1A800;
	[dreg:$0x1c] =	wrdreg s26  }
0x23: {  	s21 =	simm.s32 $0x7;
	s4 =	simm.s32 $0x0;
	[dreg:$0x1e] =	wrdreg s31  }
0x24: {  	s0 =	simm.s32 $0x6400;
	s3 =	simm.s32 $0x80;
	s8 =	simm.s32 $0x10800  }
0x25: {  	s11 =	simm.s32 $0x40;
	s12 =	simm.s32 $0x12800;
	s13 =	simm.s32 $0x16800  }
0x26: {  	s14 =	simm.s32 $0x2;
	s15 =	simm.s32 $0x5;
	s16 =	simm.s32 $0x18800  }
0x27: {  	s18 =	simm.s32 $0x6;
	s20 =	simm.s32 $0x4;
	s22 =	simm.s32 $0x8  }
.LBB2_1:
0x28: {  	[dreg:$0x1f] =	wrdreg s4  }
0x29: {  	s24 =	simm.s32 $0x0;
	s1 =	rddreg [dreg:$0xa]  }
0x2a: {  	[tilespmem:s28], [sflag:$0x9] =	stream.linear.gather [hbm4b:s1+s24], $0x2000, $0x38;
	[tilespmem:$0x1E800] =	vst v63  }
0x2b: {  	_ =	swait.ge [sflag:s29], $0x2000  }
0x2c: {  	[sflag:s29] =	ssyncset.done $0x0  }
0x2d: {  	s23 =	rddreg [dreg:$0xb];
	[sflag:s29] =	ssyncadd.s32 $0xFFFFE000  }
0x2e: {  	[spmem:s23] =	stream.linear.scatter [tilespmem:s28], [sflag:$0x9], $0x2000, $0x38;
	[tilespmem:$0x1E800] =	vst v63  }
0x2f: {  	_ =	swait.ge [sflag:s29], $0x2000  }
0x30: {  	s26 =	simm.s32 $0x400;
	[sflag:s29] =	ssyncset.done $0x0  }
0x31: {  	s10 =	simm.s32 $0x8000;
	s25 =	rddreg [dreg:$0xc];
	[sflag:s29] =	ssyncadd.s32 $0xFFFFE000  }
0x32: {  	[tilespmem:s24], [sflag:$0x9] =	stream.strided.gather [hbm4b:s25+s26], $0x6400, s10, s26, $0x38;
	[tilespmem:$0x1E800] =	vst v63  }
0x33: {  	_ =	swait.ge [sflag:s29], $0x6400  }
0x34: {  	[sflag:s29] =	ssyncset.done $0x0  }
0x35: {  	s30 =	rddreg [dreg:$0xd];
	[sflag:s29] =	ssyncadd.s32 $0xFFFF9C00  }
0x36: {  	[tilespmem:s0], [sflag:$0x9] =	stream.strided.gather [hbm4b:s30+s26], $0x6400, s10, s26, $0x38;
	[tilespmem:$0x1E800] =	vst v63  }
0x37: {  	_ =	swait.ge [sflag:s29], $0x6400  }
0x38: {  	[sflag:s29] =	ssyncset.done $0x0  }
0x39: {  	[sflag:s29] =	ssyncadd.s32 $0xFFFF9C00  }
0x3a: {  	[bflag:$0x0] =	sbarrier.arrive $0xFFFF  }
0x3b: {  	[tilespmem:s6], [sflag:$0x1] =	stream.indirect.gather [hbm4b:s5+s3], $0x40, s24, s3, $0xb8;
	[tilespmem:$0x1E800] =	vst v63  }
0x3c: {  	_ = 	snop  }
0x3d: {  	[tilespmem:s7], [sflag:$0x2] =	stream.indirect.gather [hbm4b:s5+s3], $0x40, s3, s3, $0xb8;
	[tilespmem:$0x1E800] =	vst v63  }
0x3e: {  	s23 =	simm.s32 $0x100  }
0x3f: {  	[tilespmem:s8], [sflag:$0x3] =	stream.indirect.gather [hbm4b:s5+s3], $0x40, s23, s3, $0xb8;
	[tilespmem:$0x1E800] =	vst v63  }
0x40: {  	_ = 	snop  }
0x41: {  	[tilespmem:s28], [sflag:$0x9] =	stream.indirect.gather [spmem:s2], $0x40, s0, s3, $0xb8;
	[tilespmem:$0x1E800] =	vst v63  }
0x42: {  	_ =	swait.ge [sflag:s29], $0x2000  }
0x43: {  	[sflag:s29] =	ssyncset.done $0x0  }
0x44: {  	[sflag:s29] =	ssyncadd.s32 $0xFFFFE000  }
0x45: {  	_ =	swait.ge [sflag:s9], $0x2000  }
0x46: {  	[sflag:s9] =	ssyncset.done $0x0  }
0x47: {  	s25 =	rddreg [dreg:$0xe];
	[sflag:s9] =	ssyncadd.s32 $0xFFFFE000  }
0x48: {  	[hbm4b:s25+s11] =	stream.strided.scatter [tilespmem:s6], [sflag:$0x5], $0x2000, s0, s11, $0x38;
	[tilespmem:$0x1E800] =	vst v63  }
0x49: {  	s26 =	rddreg [dreg:$0xf]  }
0x4a: {  	[hbm4b:s26+s11] =	stream.strided.scatter [tilespmem:s28], [sflag:$0x5], $0x2000, s0, s11, $0x38;
	[tilespmem:$0x1E800] =	vst v63  }
0x4b: {  	s30 =	simm.s32 $0x180  }
0x4c: {  	[tilespmem:s12], [sflag:$0x4] =	stream.indirect.gather [hbm4b:s5+s3], $0x40, s30, s3, $0xb8;
	[tilespmem:$0x1E800] =	vst v63  }
0x4d: {  	s4 =	simm.s32 $0x6480  }
0x4e: {  	[tilespmem:s13], [sflag:$0x9] =	stream.indirect.gather [spmem:s2], $0x40, s4, s3, $0xb8;
	[tilespmem:$0x1E800] =	vst v63  }
0x4f: {  	_ =	swait.ge [sflag:s29], $0x2000  }
0x50: {  	[sflag:s29] =	ssyncset.done $0x0  }
0x51: {  	[sflag:s29] =	ssyncadd.s32 $0xFFFFE000  }
0x52: {  	_ =	swait.ge [sflag:s14], $0x2000  }
0x53: {  	[sflag:s14] =	ssyncset.done $0x0  }
0x54: {  	s10 =	rddreg [dreg:$0x10];
	[sflag:s14] =	ssyncadd.s32 $0xFFFFE000  }
0x55: {  	[hbm4b:s10+s11] =	stream.strided.scatter [tilespmem:s7], [sflag:$0x6], $0x2000, s0, s11, $0x38;
	[tilespmem:$0x1E800] =	vst v63  }
0x56: {  	s23 =	rddreg [dreg:$0x11]  }
0x57: {  	[hbm4b:s23+s11] =	stream.strided.scatter [tilespmem:s13], [sflag:$0x6], $0x2000, s0, s11, $0x38;
	[tilespmem:$0x1E800] =	vst v63  }
0x58: {  	_ =	swait.ge [sflag:s15], $0x2000  }
0x59: {  	[sflag:s15] =	ssyncset.done $0x0  }
0x5a: {  	[sflag:s15] =	ssyncadd.s32 $0xFFFFE000  }
0x5b: {  	_ =	swait.ge [sflag:s15], $0x2000  }
0x5c: {  	[sflag:s15] =	ssyncset.done $0x0  }
0x5d: {  	s25 =	simm.s32 $0x200;
	[sflag:s15] =	ssyncadd.s32 $0xFFFFE000  }
0x5e: {  	[tilespmem:s6], [sflag:$0x1] =	stream.indirect.gather [hbm4b:s5+s3], $0x40, s25, s3, $0xb8;
	[tilespmem:$0x1E800] =	vst v63  }
0x5f: {  	s26 =	simm.s32 $0x6500  }
0x60: {  	[tilespmem:s16], [sflag:$0x9] =	stream.indirect.gather [spmem:s2], $0x40, s26, s3, $0xb8;
	[tilespmem:$0x1E800] =	vst v63  }
0x61: {  	_ =	swait.ge [sflag:s29], $0x2000  }
0x62: {  	[sflag:s29] =	ssyncset.done $0x0  }
0x63: {  	[sflag:s29] =	ssyncadd.s32 $0xFFFFE000  }
0x64: {  	_ =	swait.ge [sflag:s17], $0x2000  }
0x65: {  	[sflag:s17] =	ssyncset.done $0x0  }
0x66: {  	s30 =	rddreg [dreg:$0x12];
	[sflag:s17] =	ssyncadd.s32 $0xFFFFE000  }
0x67: {  	[hbm4b:s30+s11] =	stream.strided.scatter [tilespmem:s8], [sflag:$0x7], $0x2000, s0, s11, $0x38;
	[tilespmem:$0x1E800] =	vst v63  }
0x68: {  	s4 =	rddreg [dreg:$0x13]  }
0x69: {  	[hbm4b:s4+s11] =	stream.strided.scatter [tilespmem:s16], [sflag:$0x7], $0x2000, s0, s11, $0x38;
	[tilespmem:$0x1E800] =	vst v63  }
0x6a: {  	_ =	swait.ge [sflag:s18], $0x2000  }
0x6b: {  	[sflag:s18] =	ssyncset.done $0x0  }
0x6c: {  	[sflag:s18] =	ssyncadd.s32 $0xFFFFE000  }
0x6d: {  	_ =	swait.ge [sflag:s18], $0x2000  }
0x6e: {  	[sflag:s18] =	ssyncset.done $0x0  }
0x6f: {  	s10 =	simm.s32 $0x280;
	[sflag:s18] =	ssyncadd.s32 $0xFFFFE000  }
0x70: {  	[tilespmem:s7], [sflag:$0x2] =	stream.indirect.gather [hbm4b:s5+s3], $0x40, s10, s3, $0xb8;
	[tilespmem:$0x1E800] =	vst v63  }
0x71: {  	s23 =	simm.s32 $0x6580  }
0x72: {  	[tilespmem:s19], [sflag:$0x9] =	stream.indirect.gather [spmem:s2], $0x40, s23, s3, $0xb8;
	[tilespmem:$0x1E800] =	vst v63  }
0x73: {  	_ =	swait.ge [sflag:s29], $0x2000  }
0x74: {  	[sflag:s29] =	ssyncset.done $0x0  }
0x75: {  	[sflag:s29] =	ssyncadd.s32 $0xFFFFE000  }
0x76: {  	_ =	swait.ge [sflag:s20], $0x2000  }
0x77: {  	[sflag:s20] =	ssyncset.done $0x0  }
0x78: {  	s25 =	rddreg [dreg:$0x14];
	[sflag:s20] =	ssyncadd.s32 $0xFFFFE000  }
0x79: {  	[hbm4b:s25+s11] =	stream.strided.scatter [tilespmem:s12], [sflag:$0x8], $0x2000, s0, s11, $0x38;
	[tilespmem:$0x1E800] =	vst v63  }
0x7a: {  	s26 =	rddreg [dreg:$0x15]  }
0x7b: {  	[hbm4b:s26+s11] =	stream.strided.scatter [tilespmem:s19], [sflag:$0x8], $0x2000, s0, s11, $0x38;
	[tilespmem:$0x1E800] =	vst v63  }
0x7c: {  	_ =	swait.ge [sflag:s21], $0x2000  }
0x7d: {  	[sflag:s21] =	ssyncset.done $0x0  }
0x7e: {  	s30 =	simm.s32 $0x800;
	[sflag:s21] =	ssyncadd.s32 $0xFFFFE000  }
0x7f: {  	s1 =	sand.u32 $0x3F000, s30;
	s23 =	simm.s32 $0x200;
	_ =	swait.ge [sflag:s21], $0x2000  }
0x80: {  	s1 =	sshrl.u32 s1, $0x2;
	s4 =	sand.u32 $0x200, s23;
	[sflag:s21] =	ssyncset.done $0x0  }
0x81: {  	s1 =	sor.u32 s4, s1;
	s25 =	simm.s32 $0x300;
	[sflag:s21] =	ssyncadd.s32 $0xFFFFE000  }
0x82: {  	[tilespmem:s8], [sflag:$0x3] =	stream.indirect.gather [hbm4b:s5+s3], $0x40, s25, s3, $0xb8;
	[tilespmem:$0x1E800] =	vst v63  }
0x83: {  	s1 =	sadd.s32 $0x6400, s1  }
0x84: {  	[tilespmem:s28], [sflag:$0x9] =	stream.indirect.gather [spmem:s2], $0x40, s1, s3, $0xb8;
	[tilespmem:$0x1E800] =	vst v63  }
0x85: {  	_ =	swait.ge [sflag:s29], $0x2000  }
0x86: {  	[sflag:s29] =	ssyncset.done $0x0  }
0x87: {  	[sflag:s29] =	ssyncadd.s32 $0xFFFFE000  }
0x88: {  	_ =	swait.ge [sflag:s9], $0x2000  }
0x89: {  	[sflag:s9] =	ssyncset.done $0x0  }
0x8a: {  	s10 =	rddreg [dreg:$0x6];
	[sflag:s9] =	ssyncadd.s32 $0xFFFFE000  }
0x8b: {  	s4 =	rddreg [dreg:$0x3]  }
0x8c: {  	s1 =	sadd.s32 s4, s10  }
0x8d: {  	[hbm4b:s1+s11] =	stream.strided.scatter [tilespmem:s6], [sflag:$0x5], $0x2000, s0, s11, $0x38;
	[tilespmem:$0x1E800] =	vst v63  }
0x8e: {  	s1 =	sadd.s32 $0x8, s1  }
0x8f: {  	[hbm4b:s1+s11] =	stream.strided.scatter [tilespmem:s28], [sflag:$0x5], $0x2000, s0, s11, $0x38;
	[tilespmem:$0x1E800] =	vst v63  }
0x90: {  	_ =	swait.ge [sflag:s22], $0x2000  }
0x91: {  	[sflag:s22] =	ssyncset.done $0x0  }
0x92: {  	s25 =	simm.s32 $0xA00;
	[sflag:s22] =	ssyncadd.s32 $0xFFFFE000  }
0x93: {  	s26 =	simm.s32 $0x280;
	s1 =	sand.u32 $0x3F000, s25;
	_ =	swait.ge [sflag:s22], $0x2000  }
0x94: {  	s10 =	sand.u32 $0x280, s26;
	s1 =	sshrl.u32 s1, $0x2;
	[sflag:s22] =	ssyncset.done $0x0  }
0x95: {  	s30 =	simm.s32 $0x380;
	s1 =	sor.u32 s10, s1;
	[sflag:s22] =	ssyncadd.s32 $0xFFFFE000  }
0x96: {  	[tilespmem:s12], [sflag:$0x4] =	stream.indirect.gather [hbm4b:s5+s3], $0x40, s30, s3, $0xb8;
	[tilespmem:$0x1E800] =	vst v63  }
0x97: {  	s1 =	sadd.s32 $0x6400, s1  }
0x98: {  	[tilespmem:s13], [sflag:$0x9] =	stream.indirect.gather [spmem:s2], $0x40, s1, s3, $0xb8;
	[tilespmem:$0x1E800] =	vst v63  }
0x99: {  	_ =	swait.ge [sflag:s29], $0x2000  }
0x9a: {  	[sflag:s29] =	ssyncset.done $0x0  }
0x9b: {  	[sflag:s29] =	ssyncadd.s32 $0xFFFFE000  }
0x9c: {  	_ =	swait.ge [sflag:s14], $0x2000  }
0x9d: {  	s10 =	rddreg [dreg:$0x7];
	[sflag:s14] =	ssyncset.done $0x0  }
0x9e: {  	[sflag:s14] =	ssyncadd.s32 $0xFFFFE000;
	s1 =	sadd.s32 s4, s10  }
0x9f: {  	[hbm4b:s1+s11] =	stream.strided.scatter [tilespmem:s7], [sflag:$0x6], $0x2000, s0, s11, $0x38;
	[tilespmem:$0x1E800] =	vst v63  }
0xa0: {  	s1 =	sadd.s32 $0x8, s1  }
0xa1: {  	[hbm4b:s1+s11] =	stream.strided.scatter [tilespmem:s13], [sflag:$0x6], $0x2000, s0, s11, $0x38;
	[tilespmem:$0x1E800] =	vst v63  }
0xa2: {  	_ =	swait.ge [sflag:s15], $0x2000  }
0xa3: {  	[sflag:s15] =	ssyncset.done $0x0  }
0xa4: {  	s25 =	simm.s32 $0x1000;
	[sflag:s15] =	ssyncadd.s32 $0xFFFFE000  }
0xa5: {  	s1 =	sand.u32 $0x3F000, s25;
	_ =	swait.ge [sflag:s15], $0x2000  }
0xa6: {  	s26 =	sand.u32 $0x200, s24;
	s1 =	sshrl.u32 s1, $0x2;
	[sflag:s15] =	ssyncset.done $0x0  }
0xa7: {  	s1 =	sor.u32 s26, s1;
	[sflag:s15] =	ssyncadd.s32 $0xFFFFE000  }
0xa8: {  	[tilespmem:s6], [sflag:$0x1] =	stream.indirect.gather [hbm4b:s5+s3], $0x40, s1, s3, $0xb8;
	[tilespmem:$0x1E800] =	vst v63  }
0xa9: {  	s30 =	simm.s32 $0x6700  }
0xaa: {  	[tilespmem:s16], [sflag:$0x9] =	stream.indirect.gather [spmem:s2], $0x40, s30, s3, $0xb8;
	[tilespmem:$0x1E800] =	vst v63  }
0xab: {  	_ =	swait.ge [sflag:s29], $0x2000  }
0xac: {  	[sflag:s29] =	ssyncset.done $0x0  }
0xad: {  	[sflag:s29] =	ssyncadd.s32 $0xFFFFE000  }
0xae: {  	_ =	swait.ge [sflag:s17], $0x2000  }
0xaf: {  	s10 =	rddreg [dreg:$0x9];
	[sflag:s17] =	ssyncset.done $0x0  }
0xb0: {  	[sflag:s17] =	ssyncadd.s32 $0xFFFFE000;
	s1 =	sadd.s32 s4, s10  }
0xb1: {  	[hbm4b:s1+s11] =	stream.strided.scatter [tilespmem:s8], [sflag:$0x7], $0x2000, s0, s11, $0x38;
	[tilespmem:$0x1E800] =	vst v63  }
0xb2: {  	s1 =	sadd.s32 $0x8, s1  }
0xb3: {  	[hbm4b:s1+s11] =	stream.strided.scatter [tilespmem:s16], [sflag:$0x7], $0x2000, s0, s11, $0x38;
	[tilespmem:$0x1E800] =	vst v63  }
0xb4: {  	_ =	swait.ge [sflag:s18], $0x2000  }
0xb5: {  	[sflag:s18] =	ssyncset.done $0x0  }
0xb6: {  	s24 =	simm.s32 $0x1200;
	[sflag:s18] =	ssyncadd.s32 $0xFFFFE000  }
0xb7: {  	s25 =	simm.s32 $0x480;
	s1 =	sand.u32 $0x3F000, s24;
	_ =	swait.ge [sflag:s18], $0x2000  }
0xb8: {  	s10 =	sand.u32 $0x280, s25;
	s1 =	sshrl.u32 s1, $0x2;
	[sflag:s18] =	ssyncset.done $0x0  }
0xb9: {  	s1 =	sor.u32 s10, s1;
	[sflag:s18] =	ssyncadd.s32 $0xFFFFE000  }
0xba: {  	[tilespmem:s7], [sflag:$0x2] =	stream.indirect.gather [hbm4b:s5+s3], $0x40, s1, s3, $0xb8;
	[tilespmem:$0x1E800] =	vst v63  }
0xbb: {  	s26 =	simm.s32 $0x6780  }
0xbc: {  	[tilespmem:s19], [sflag:$0x9] =	stream.indirect.gather [spmem:s2], $0x40, s26, s3, $0xb8;
	[tilespmem:$0x1E800] =	vst v63  }
0xbd: {  	_ =	swait.ge [sflag:s29], $0x2000  }
0xbe: {  	[sflag:s29] =	ssyncset.done $0x0  }
0xbf: {  	[sflag:s29] =	ssyncadd.s32 $0xFFFFE000  }
0xc0: {  	_ =	swait.ge [sflag:s20], $0x2000  }
0xc1: {  	s31 =	simm.s32 $0x1A00;
	s30 =	rddreg [dreg:$0x8];
	[sflag:s20] =	ssyncset.done $0x0  }
0xc2: {  	s1 =	smov.u32 s4;
	[sflag:s20] =	ssyncadd.s32 $0xFFFFE000;
	s10 =	sadd.s32 s4, s30  }
0xc3: {  	[hbm4b:s10+s11] =	stream.strided.scatter [tilespmem:s12], [sflag:$0x8], $0x2000, s0, s11, $0x38;
	[tilespmem:$0x1E800] =	vst v63  }
.LBB2_2:
0xc4: {  	s10 =	sadd.s32 $0x8, s10  }
0xc5: {  	[hbm4b:s10+s11] =	stream.strided.scatter [tilespmem:s19], [sflag:$0x8], $0x2000, s0, s11, $0x38;
	[tilespmem:$0x1E800] =	vst v63  }
0xc6: {  	s26 =	smov.u32 s31;
	_ =	swait.ge [sflag:s21], $0x2000  }
0xc7: {  	s25 =	sshra.s32 s26, $0x2;
	[sflag:s21] =	ssyncset.done $0x0  }
0xc8: {  	s10 =	smov.u32 s23;
	s4 =	sadd.s32 $0xFFFFF600, s26;
	[sflag:s21] =	ssyncadd.s32 $0xFFFFE000  }
0xc9: {  	s23 =	sadd.s32 $0x200, s23;
	s4 =	sand.u32 $0x3F000, s4;
	_ =	swait.ge [sflag:s21], $0x2000  }
0xca: {  	s24 =	sand.u32 $0x200, s23;
	s4 =	sshrl.u32 s4, $0x2;
	[sflag:s21] =	ssyncset.done $0x0  }
0xcb: {  	s30 =	sadd.s32 $0xFFFFFE80, s25;
	s4 =	sor.u32 s24, s4;
	[sflag:s21] =	ssyncadd.s32 $0xFFFFE000  }
0xcc: {  	[tilespmem:s8], [sflag:$0x3] =	stream.indirect.gather [hbm4b:s5+s3], $0x40, s30, s3, $0xb8;
	[tilespmem:$0x1E800] =	vst v63  }
0xcd: {  	s4 =	sadd.s32 $0x6400, s4  }
0xce: {  	[tilespmem:s28], [sflag:$0x9] =	stream.indirect.gather [spmem:s2], $0x40, s4, s3, $0xb8;
	[tilespmem:$0x1E800] =	vst v63  }
0xcf: {  	_ =	swait.ge [sflag:s29], $0x2000  }
0xd0: {  	[sflag:s29] =	ssyncset.done $0x0  }
0xd1: {  	[sflag:s29] =	ssyncadd.s32 $0xFFFFE000  }
0xd2: {  	_ =	swait.ge [sflag:s9], $0x2000  }
0xd3: {  	s1 =	sadd.s32 $0x40, s1;
	s30 =	rddreg [dreg:$0x6];
	[sflag:s9] =	ssyncset.done $0x0  }
0xd4: {  	[sflag:s9] =	ssyncadd.s32 $0xFFFFE000;
	s4 =	sadd.s32 s1, s30  }
0xd5: {  	[hbm4b:s4+s11] =	stream.strided.scatter [tilespmem:s6], [sflag:$0x5], $0x2000, s0, s11, $0x38;
	[tilespmem:$0x1E800] =	vst v63  }
0xd6: {  	s4 =	sadd.s32 $0x8, s4  }
0xd7: {  	[hbm4b:s4+s11] =	stream.strided.scatter [tilespmem:s28], [sflag:$0x5], $0x2000, s0, s11, $0x38;
	[tilespmem:$0x1E800] =	vst v63  }
0xd8: {  	_ =	swait.ge [sflag:s22], $0x2000  }
0xd9: {  	[sflag:s22] =	ssyncset.done $0x0  }
0xda: {  	s24 =	sadd.s32 $0xFFFFF800, s26;
	[sflag:s22] =	ssyncadd.s32 $0xFFFFE000  }
0xdb: {  	s30 =	sadd.s32 $0x280, s10;
	s4 =	sand.u32 $0x3F000, s24;
	_ =	swait.ge [sflag:s22], $0x2000  }
0xdc: {  	s24 =	sand.u32 $0x280, s30;
	s4 =	sshrl.u32 s4, $0x2;
	[sflag:s22] =	ssyncset.done $0x0  }
0xdd: {  	s30 =	sadd.s32 $0xFFFFFF00, s25;
	s4 =	sor.u32 s24, s4;
	[sflag:s22] =	ssyncadd.s32 $0xFFFFE000  }
0xde: {  	[tilespmem:s12], [sflag:$0x4] =	stream.indirect.gather [hbm4b:s5+s3], $0x40, s30, s3, $0xb8;
	[tilespmem:$0x1E800] =	vst v63  }
0xdf: {  	s4 =	sadd.s32 $0x6400, s4  }
0xe0: {  	[tilespmem:s13], [sflag:$0x9] =	stream.indirect.gather [spmem:s2], $0x40, s4, s3, $0xb8;
	[tilespmem:$0x1E800] =	vst v63  }
0xe1: {  	_ =	swait.ge [sflag:s29], $0x2000  }
0xe2: {  	[sflag:s29] =	ssyncset.done $0x0  }
0xe3: {  	[sflag:s29] =	ssyncadd.s32 $0xFFFFE000  }
0xe4: {  	_ =	swait.ge [sflag:s14], $0x2000  }
0xe5: {  	s30 =	rddreg [dreg:$0x7];
	[sflag:s14] =	ssyncset.done $0x0  }
0xe6: {  	[sflag:s14] =	ssyncadd.s32 $0xFFFFE000;
	s4 =	sadd.s32 s1, s30  }
0xe7: {  	[hbm4b:s4+s11] =	stream.strided.scatter [tilespmem:s7], [sflag:$0x6], $0x2000, s0, s11, $0x38;
	[tilespmem:$0x1E800] =	vst v63  }
0xe8: {  	s4 =	sadd.s32 $0x8, s4  }
0xe9: {  	[hbm4b:s4+s11] =	stream.strided.scatter [tilespmem:s13], [sflag:$0x6], $0x2000, s0, s11, $0x38;
	[tilespmem:$0x1E800] =	vst v63  }
0xea: {  	_ =	swait.ge [sflag:s15], $0x2000  }
0xeb: {  	[sflag:s15] =	ssyncset.done $0x0  }
0xec: {  	s24 =	sadd.s32 $0xFFFFFE00, s26;
	[sflag:s15] =	ssyncadd.s32 $0xFFFFE000  }
0xed: {  	s4 =	sand.u32 $0x3F000, s24;
	_ =	swait.ge [sflag:s15], $0x2000  }
0xee: {  	s30 =	sand.u32 $0x200, s10;
	s4 =	sshrl.u32 s4, $0x2;
	[sflag:s15] =	ssyncset.done $0x0  }
0xef: {  	s4 =	sor.u32 s30, s4;
	[sflag:s15] =	ssyncadd.s32 $0xFFFFE000  }
0xf0: {  	[tilespmem:s6], [sflag:$0x1] =	stream.indirect.gather [hbm4b:s5+s3], $0x40, s4, s3, $0xb8;
	[tilespmem:$0x1E800] =	vst v63  }
0xf1: {  	s30 =	sadd.s32 $0x6280, s25  }
0xf2: {  	[tilespmem:s16], [sflag:$0x9] =	stream.indirect.gather [spmem:s2], $0x40, s30, s3, $0xb8;
	[tilespmem:$0x1E800] =	vst v63  }
0xf3: {  	_ =	swait.ge [sflag:s29], $0x2000  }
0xf4: {  	[sflag:s29] =	ssyncset.done $0x0  }
0xf5: {  	[sflag:s29] =	ssyncadd.s32 $0xFFFFE000  }
0xf6: {  	_ =	swait.ge [sflag:s17], $0x2000  }
0xf7: {  	s30 =	rddreg [dreg:$0x9];
	[sflag:s17] =	ssyncset.done $0x0  }
0xf8: {  	[sflag:s17] =	ssyncadd.s32 $0xFFFFE000;
	s4 =	sadd.s32 s1, s30  }
0xf9: {  	[hbm4b:s4+s11] =	stream.strided.scatter [tilespmem:s8], [sflag:$0x7], $0x2000, s0, s11, $0x38;
	[tilespmem:$0x1E800] =	vst v63  }
0xfa: {  	s4 =	sadd.s32 $0x8, s4  }
0xfb: {  	[hbm4b:s4+s11] =	stream.strided.scatter [tilespmem:s16], [sflag:$0x7], $0x2000, s0, s11, $0x38;
	[tilespmem:$0x1E800] =	vst v63  }
0xfc: {  	_ =	swait.ge [sflag:s18], $0x2000  }
0xfd: {  	[sflag:s18] =	ssyncset.done $0x0  }
0xfe: {  	[sflag:s18] =	ssyncadd.s32 $0xFFFFE000  }
0xff: {  	s10 =	sadd.s32 $0x480, s10;
	s24 =	sand.u32 $0x3F000, s26;
	_ =	swait.ge [sflag:s18], $0x2000  }
0x100: {  	s4 =	sand.u32 $0x280, s10;
	s10 =	sshrl.u32 s24, $0x2;
	[sflag:s18] =	ssyncset.done $0x0  }
0x101: {  	s4 =	sor.u32 s4, s10;
	[sflag:s18] =	ssyncadd.s32 $0xFFFFE000  }
0x102: {  	[tilespmem:s7], [sflag:$0x2] =	stream.indirect.gather [hbm4b:s5+s3], $0x40, s4, s3, $0xb8;
	[tilespmem:$0x1E800] =	vst v63  }
0x103: {  	s26 =	sadd.s32 $0x6300, s25  }
0x104: {  	[tilespmem:s19], [sflag:$0x9] =	stream.indirect.gather [spmem:s2], $0x40, s26, s3, $0xb8;
	[tilespmem:$0x1E800] =	vst v63  }
0x105: {  	_ =	swait.ge [sflag:s29], $0x2000  }
0x106: {  	p0 =	sne.s32 s31, $0x18A00;
	[sflag:s29] =	ssyncset.done $0x0  }
.Ltmp0:
0x107: {  	[sflag:s29] =	ssyncadd.s32 $0xFFFFE000;
	(pc) =	sbr.rel @p0 .LBB2_2-.Ltmp0, $4  }
0x108: {  	_ =	swait.ge [sflag:s20], $0x2000  }
0x109: {  	s30 =	rddreg [dreg:$0x8];
	[sflag:s20] =	ssyncset.done $0x0  }
0x10a: {  	s31 =	sadd.s32 $0x800, s31;
	[sflag:s20] =	ssyncadd.s32 $0xFFFFE000;
	s10 =	sadd.s32 s1, s30  }
0x10b: {  	[hbm4b:s10+s11] =	stream.strided.scatter [tilespmem:s12], [sflag:$0x8], $0x2000, s0, s11, $0x38;
	[tilespmem:$0x1E800] =	vst v63  }
0x10c: {  	s1 =	sadd.s32 $0x8, s10  }
0x10d: {  	[hbm4b:s1+s11] =	stream.strided.scatter [tilespmem:s19], [sflag:$0x8], $0x2000, s0, s11, $0x38;
	[tilespmem:$0x1E800] =	vst v63  }
0x10e: {  	_ =	swait.ge [sflag:s21], $0x2000  }
0x10f: {  	[sflag:s21] =	ssyncset.done $0x0  }
0x110: {  	[sflag:s21] =	ssyncadd.s32 $0xFFFFE000  }
0x111: {  	_ =	swait.ge [sflag:s21], $0x2000  }
0x112: {  	[sflag:s21] =	ssyncset.done $0x0  }
0x113: {  	s10 =	simm.s32 $0x6300;
	[sflag:s21] =	ssyncadd.s32 $0xFFFFE000  }
0x114: {  	[tilespmem:s8], [sflag:$0x3] =	stream.indirect.gather [hbm4b:s5+s3], $0x40, s10, s3, $0xb8;
	[tilespmem:$0x1E800] =	vst v63  }
0x115: {  	s23 =	simm.s32 $0xC600  }
0x116: {  	[tilespmem:s28], [sflag:$0x9] =	stream.indirect.gather [spmem:s2], $0x40, s23, s3, $0xb8;
	[tilespmem:$0x1E800] =	vst v63  }
0x117: {  	_ =	swait.ge [sflag:s29], $0x2000  }
0x118: {  	[sflag:s29] =	ssyncset.done $0x0  }
0x119: {  	[sflag:s29] =	ssyncadd.s32 $0xFFFFE000  }
0x11a: {  	_ =	swait.ge [sflag:s9], $0x2000  }
0x11b: {  	[sflag:s9] =	ssyncset.done $0x0  }
0x11c: {  	s24 =	rddreg [dreg:$0x16];
	[sflag:s9] =	ssyncadd.s32 $0xFFFFE000  }
0x11d: {  	[hbm4b:s24+s11] =	stream.strided.scatter [tilespmem:s6], [sflag:$0x5], $0x2000, s0, s11, $0x38;
	[tilespmem:$0x1E800] =	vst v63  }
0x11e: {  	s25 =	rddreg [dreg:$0x17]  }
0x11f: {  	[hbm4b:s25+s11] =	stream.strided.scatter [tilespmem:s28], [sflag:$0x5], $0x2000, s0, s11, $0x38;
	[tilespmem:$0x1E800] =	vst v63  }
0x120: {  	_ =	swait.ge [sflag:s22], $0x2000  }
0x121: {  	[sflag:s22] =	ssyncset.done $0x0  }
0x122: {  	[sflag:s22] =	ssyncadd.s32 $0xFFFFE000  }
0x123: {  	_ =	swait.ge [sflag:s22], $0x2000  }
0x124: {  	[sflag:s22] =	ssyncset.done $0x0  }
0x125: {  	s26 =	simm.s32 $0x6380;
	[sflag:s22] =	ssyncadd.s32 $0xFFFFE000  }
0x126: {  	[tilespmem:s12], [sflag:$0x4] =	stream.indirect.gather [hbm4b:s5+s3], $0x40, s26, s3, $0xb8;
	[tilespmem:$0x1E800] =	vst v63  }
0x127: {  	s30 =	simm.s32 $0xC680  }
0x128: {  	[tilespmem:s13], [sflag:$0x9] =	stream.indirect.gather [spmem:s2], $0x40, s30, s3, $0xb8;
	[tilespmem:$0x1E800] =	vst v63  }
0x129: {  	_ =	swait.ge [sflag:s29], $0x2000  }
0x12a: {  	[sflag:s29] =	ssyncset.done $0x0  }
0x12b: {  	[sflag:s29] =	ssyncadd.s32 $0xFFFFE000  }
0x12c: {  	_ =	swait.ge [sflag:s14], $0x2000  }
0x12d: {  	[sflag:s14] =	ssyncset.done $0x0  }
0x12e: {  	s31 =	rddreg [dreg:$0x18];
	[sflag:s14] =	ssyncadd.s32 $0xFFFFE000  }
0x12f: {  	[hbm4b:s31+s11] =	stream.strided.scatter [tilespmem:s7], [sflag:$0x6], $0x2000, s0, s11, $0x38;
	[tilespmem:$0x1E800] =	vst v63  }
0x130: {  	s4 =	rddreg [dreg:$0x19]  }
0x131: {  	[hbm4b:s4+s11] =	stream.strided.scatter [tilespmem:s13], [sflag:$0x6], $0x2000, s0, s11, $0x38;
	[tilespmem:$0x1E800] =	vst v63  }
0x132: {  	s10 =	simm.s32 $0xC700  }
0x133: {  	[tilespmem:s16], [sflag:$0x9] =	stream.indirect.gather [spmem:s2], $0x40, s10, s3, $0xb8;
	[tilespmem:$0x1E800] =	vst v63  }
0x134: {  	_ =	swait.ge [sflag:s29], $0x2000  }
0x135: {  	[sflag:s29] =	ssyncset.done $0x0  }
0x136: {  	[sflag:s29] =	ssyncadd.s32 $0xFFFFE000  }
0x137: {  	_ =	swait.ge [sflag:s17], $0x2000  }
0x138: {  	[sflag:s17] =	ssyncset.done $0x0  }
0x139: {  	s23 =	rddreg [dreg:$0x1a];
	[sflag:s17] =	ssyncadd.s32 $0xFFFFE000  }
0x13a: {  	[hbm4b:s23+s11] =	stream.strided.scatter [tilespmem:s8], [sflag:$0x7], $0x2000, s0, s11, $0x38;
	[tilespmem:$0x1E800] =	vst v63  }
0x13b: {  	s24 =	rddreg [dreg:$0x1b]  }
0x13c: {  	[hbm4b:s24+s11] =	stream.strided.scatter [tilespmem:s16], [sflag:$0x7], $0x2000, s0, s11, $0x38;
	[tilespmem:$0x1E800] =	vst v63  }
0x13d: {  	s25 =	simm.s32 $0xC780  }
0x13e: {  	[tilespmem:s19], [sflag:$0x9] =	stream.indirect.gather [spmem:s2], $0x40, s25, s3, $0xb8;
	[tilespmem:$0x1E800] =	vst v63  }
0x13f: {  	_ =	swait.ge [sflag:s29], $0x2000  }
0x140: {  	[sflag:s29] =	ssyncset.done $0x0  }
0x141: {  	[sflag:s29] =	ssyncadd.s32 $0xFFFFE000  }
0x142: {  	_ =	swait.ge [sflag:s20], $0x2000  }
0x143: {  	[sflag:s20] =	ssyncset.done $0x0  }
0x144: {  	s26 =	rddreg [dreg:$0x1c];
	[sflag:s20] =	ssyncadd.s32 $0xFFFFE000  }
0x145: {  	[hbm4b:s26+s11] =	stream.strided.scatter [tilespmem:s12], [sflag:$0x8], $0x2000, s0, s11, $0x38;
	[tilespmem:$0x1E800] =	vst v63  }
0x146: {  	s30 =	rddreg [dreg:$0x1e]  }
0x147: {  	[hbm4b:s30+s11] =	stream.strided.scatter [tilespmem:s19], [sflag:$0x8], $0x2000, s0, s11, $0x38;
	[tilespmem:$0x1E800] =	vst v63  }
0x148: {  	_ =	swait.ge [sflag:s15], $0x2000  }
0x149: {  	[sflag:s15] =	ssyncset.done $0x0  }
0x14a: {  	[sflag:s15] =	ssyncadd.s32 $0xFFFFE000  }
0x14b: {  	_ =	swait.ge [sflag:s15], $0x2000  }
0x14c: {  	[sflag:s15] =	ssyncset.done $0x0  }
0x14d: {  	[sflag:s15] =	ssyncadd.s32 $0xFFFFE000  }
0x14e: {  	_ =	swait.ge [sflag:s18], $0x2000  }
0x14f: {  	[sflag:s18] =	ssyncset.done $0x0  }
0x150: {  	[sflag:s18] =	ssyncadd.s32 $0xFFFFE000  }
0x151: {  	_ =	swait.ge [sflag:s18], $0x2000  }
0x152: {  	[sflag:s18] =	ssyncset.done $0x0  }
0x153: {  	[sflag:s18] =	ssyncadd.s32 $0xFFFFE000  }
0x154: {  	_ =	swait.ge [sflag:s21], $0x2000  }
0x155: {  	[sflag:s21] =	ssyncset.done $0x0  }
0x156: {  	[sflag:s21] =	ssyncadd.s32 $0xFFFFE000  }
0x157: {  	_ =	swait.ge [sflag:s21], $0x2000  }
0x158: {  	[sflag:s21] =	ssyncset.done $0x0  }
0x159: {  	[sflag:s21] =	ssyncadd.s32 $0xFFFFE000  }
0x15a: {  	_ =	swait.ge [sflag:s22], $0x2000  }
0x15b: {  	[sflag:s22] =	ssyncset.done $0x0  }
0x15c: {  	[sflag:s22] =	ssyncadd.s32 $0xFFFFE000  }
0x15d: {  	_ =	swait.ge [sflag:s22], $0x2000  }
0x15e: {  	s4 =	rddreg [dreg:$0x1f]  }
0x15f: {  	s31 =	rddreg [dreg:$0x1d];
	s4 =	sadd.s32 $0x1, s4  }
0x160: {  	p0 =	sne.s32 s4, s31  }
.Ltmp1:
0x161: {  	_ = 	snop;
	(pc) =	sbr.rel @p0 .LBB2_1-.Ltmp1, $3  }
0x162: {  	_ =	sdelay $0x1  }
0x163: {  	[sflag:s22] =	ssyncset.done $0x0  }
0x164: {  	[sflag:s22] =	ssyncadd.s32 $0xFFFFE000  }
0x165: {  	_ =	sfence.sel $0x180000  }
0x166: {  	[bflag:$0x0] =	sbarrier.arrive $0xFFFF  }
0x167: {  	_ =	strace $0x90000047  }
0x168: {  	s0 =	stileid.u32;
	[bflag:$0x2] =	sbarrier.arrive $0xFFFF  }
0x169: {  	p0 =	sne.s32 s0, $0x0;
	s0 =	rddreg [dreg:$0x5]  }
0x16a: {  	s0 =	sadd.s32 @!p0 $0x100000, s0  }
0x16b: {  	[sflag:s0] =	ssyncadd.tile.s32 @!p0 $0x1;
	_ =	shalt  }
.Lfunc_end2:
_tile_overlayer_lowered:
.L_overlay_start_2:
0x16c: {  	(tag) =	ssettag $0x2  }
0x16d: {  	s0 =	rddreg [dreg:$0x0];
	s2 =	stileid.u32  }
0x16e: {  	s1 =	rddreg [dreg:$0x1];
	p0 =	sne.s32 s2, $0x0  }
0x16f: {  	s3 =	rddreg [dreg:$0x2];
	[bflag:$0x3] =	sbarrier.arrive $0xFFFF;
	s2 =	simm.s32 @!p0 $0x1C09  }
0x170: {  	[timem:s3], [sflag:s2] =	dma.local @!p0 [hbm:s0], s1  }
0x171: {  	s0 =	simm.s32 @!p0 $0x9  }
0x172: {  	_ =	swait.ge @!p0 [sflag:s0], s1  }
0x173: {  	s1 =	ssub.s32 @!p0 $0x0, s1;
	[sflag:s0] =	ssyncset.done @!p0 $0x0  }
0x174: {  	[sflag:s0] =	ssyncadd.s32 @!p0 s1  }
0x175: {  	[bflag:$0x3] =	sbarrier.arrive $0xFFFF  }
0x176: {  	_ =	shalt  }

</sc_bundles>
